<compile_context>
chip_gen: v7x
topology: tpu7x:2x2x1
jax: 0.10.2.dev20260603
libtpu: 0.0.44.dev20260713+nightly
codegen_flags: <defaults>
</compile_context>

<pallas_src>
import functools

import jax
import jax.numpy as jnp
from jax import lax
from jax.experimental import pallas as pl
from jax.experimental.pallas import tpu as pltpu
from jax.experimental.pallas import tpu_sc as plsc

N = 10000
NP = 10240
E = 320000
EP = 327680
ER = EP // 128
D = 128
NC = 2
NS = 16
STRIPE = NP // NS

_mesh = functools.partial(
    plsc.VectorSubcoreMesh, core_axis_name="c", subcore_axis_name="s",
    num_cores=NC, num_subcores=NS,
)


def _fill_buf(buf, val):
    v = jnp.full((16,), val, dtype=jnp.float32)

    @pl.loop(0, 128)
    def _(i):
        for k in range(8):
            buf[i, pl.ds(k * 16, 16)] = v


def _zero_stripe(acc, buf, s):
    @pl.loop(0, 5)
    def _(k):
        pltpu.sync_copy(buf, acc.at[pl.ds(s * STRIPE + k * 128, 128)])


def _writeback_stripe(acc, out_hbm, c, s):
    pltpu.sync_copy(
        acc.at[pl.ds(s * STRIPE, STRIPE)],
        out_hbm.at[pl.ds(c * NP + s * STRIPE, STRIPE)],
    )


def _sc_degree(dst2d):

    @functools.partial(
        pl.kernel,
        out_type=jax.ShapeDtypeStruct((2 * NP, 128), jnp.float32),
        mesh=_mesh(),
        scratch_types=[
            pltpu.VMEM((80, 128), jnp.int32),
            pltpu.VMEM((128, 128), jnp.float32),
            pltpu.VMEM_SHARED((NP, 128), jnp.float32),
        ],
    )
    def k(dst_hbm, out_hbm, idx_d, buf, acc):
        c = lax.axis_index("c")
        s = lax.axis_index("s")
        _fill_buf(buf, 0.0)
        _zero_stripe(acc, buf, s)
        _fill_buf(buf, 1.0)
        base = c * (ER // 2) + s * 80
        pltpu.sync_copy(dst_hbm.at[pl.ds(base, 80)], idx_d)
        plsc.subcore_barrier()

        @pl.loop(0, 80)
        def _(j):
            pltpu.sync_copy(buf, acc.at[idx_d.at[j]], add=True)

        plsc.subcore_barrier()
        _writeback_stripe(acc, out_hbm, c, s)

    return k(dst2d)


def _make_sc_edge_pass(rows_per_tile, src_base_fn, dst_base_fn, tab_rows):

    def call(tab, src2d, dst2d):
        return _build_sc_edge_pass(rows_per_tile, src_base_fn,
                                   dst_base_fn)(tab, src2d, dst2d)

    return call


_ICHUNK = 40


def _build_sc_edge_pass(rows_per_tile, src_base_fn, dst_base_fn):
    n_chunks = rows_per_tile // _ICHUNK

    @functools.partial(
        pl.kernel,
        out_type=jax.ShapeDtypeStruct((2 * NP, 128), jnp.float32),
        mesh=_mesh(),
        scratch_types=[
            pltpu.VMEM((_ICHUNK, 128), jnp.int32),
            pltpu.VMEM((_ICHUNK, 128), jnp.int32),
            pltpu.VMEM((128, 128), jnp.float32),
            pltpu.VMEM((128, 128), jnp.float32),
            pltpu.VMEM_SHARED((NP, 128), jnp.float32),
            pltpu.SemaphoreType.DMA,
            pltpu.SemaphoreType.DMA,
        ],
    )
    def k(tab_hbm, src_hbm, dst_hbm, out_hbm, idx_s, idx_d, buf0, buf1,
          acc, sem0, sem1):
        c = lax.axis_index("c")
        s = lax.axis_index("s")
        _fill_buf(buf0, 0.0)
        _zero_stripe(acc, buf0, s)
        plsc.subcore_barrier()
        src_base = src_base_fn(c, s)
        dst_base = dst_base_fn(c, s)

        @pl.loop(0, n_chunks)
        def _(cc):
            pltpu.sync_copy(src_hbm.at[pl.ds(src_base + cc * _ICHUNK,
                                             _ICHUNK)], idx_s)
            pltpu.sync_copy(dst_hbm.at[pl.ds(dst_base + cc * _ICHUNK,
                                             _ICHUNK)], idx_d)
            pltpu.async_copy(tab_hbm.at[idx_s.at[0]], buf0, sem0)

            @pl.loop(0, _ICHUNK, step=2)
            def _(j):
                pltpu.make_async_copy(tab_hbm.at[pl.ds(0, 128)], buf0,
                                      sem0).wait()
                pltpu.async_copy(tab_hbm.at[idx_s.at[j + 1]], buf1, sem1)
                pltpu.sync_copy(buf0, acc.at[idx_d.at[j]], add=True)
                pltpu.make_async_copy(tab_hbm.at[pl.ds(0, 128)], buf1,
                                      sem1).wait()

                @pl.when(j + 2 < _ICHUNK)
                def _():
                    pltpu.async_copy(tab_hbm.at[idx_s.at[j + 2]], buf0, sem0)

                pltpu.sync_copy(buf1, acc.at[idx_d.at[j + 1]], add=True)

        plsc.subcore_barrier()
        _writeback_stripe(acc, out_hbm, c, s)

    return k


_sc_layer1 = _make_sc_edge_pass(
    rows_per_tile=ER // NS,
    src_base_fn=lambda c, s: c * ER + s * (ER // NS),
    dst_base_fn=lambda c, s: s * (ER // NS),
    tab_rows=2 * NP,
)

_sc_layer2 = _make_sc_edge_pass(
    rows_per_tile=ER // (NC * NS),
    src_base_fn=lambda c, s: c * (ER // 2) + s * (ER // (NC * NS)),
    dst_base_fn=lambda c, s: c * (ER // 2) + s * (ER // (NC * NS)),
    tab_rows=NP,
)


_RB = 1024
_GB = NP // _RB


def _tc_matmul_a(x_pad, W1):
    def body(x_ref, w_ref, o_ref):
        o_ref[...] = jnp.dot(x_ref[...], w_ref[...],
                             preferred_element_type=jnp.float32)

    return pl.pallas_call(
        body,
        grid=(_GB,),
        in_specs=[
            pl.BlockSpec((_RB, 128), lambda i: (i, 0)),
            pl.BlockSpec((128, 256), lambda i: (0, 0)),
        ],
        out_specs=pl.BlockSpec((_RB, 256), lambda i: (i, 0)),
        out_shape=jax.ShapeDtypeStruct((NP, 256), jnp.float32),
    )(x_pad, W1)


def _tc_scale_b(h1, degp):

    def body(d0_ref, d1_ref, h1_ref, h1p_ref, dinv_ref):
        deg = d0_ref[:, :1] + d1_ref[:, :1] + 1.0
        dinv = lax.rsqrt(deg)
        dinv_ref[...] = jnp.broadcast_to(dinv, (_RB, 128))
        h1p_ref[...] = h1_ref[...] * dinv

    return pl.pallas_call(
        body,
        grid=(_GB, 2),
        in_specs=[
            pl.BlockSpec((_RB, 128), lambda i, c: (i, 0)),
            pl.BlockSpec((_RB, 128), lambda i, c: (_GB + i, 0)),
            pl.BlockSpec((_RB, 128), lambda i, c: (i, c)),
        ],
        out_specs=[
            pl.BlockSpec((_RB, 128), lambda i, c: (c * _GB + i, 0)),
            pl.BlockSpec((_RB, 128), lambda i, c: (i, 0)),
        ],
        out_shape=[
            jax.ShapeDtypeStruct((2 * NP, 128), jnp.float32),
            jax.ShapeDtypeStruct((NP, 128), jnp.float32),
        ],
    )(degp, degp, h1)


def _tc_layer2_in(s1, h1p, dinv_b, b1_2d, W2):

    def body(s1a_ref, s1b_ref, hpa_ref, hpb_ref, dinv_ref, b1_ref, w2_ref,
             o_ref):
        dinv = dinv_ref[...]
        b1v = b1_ref[...]
        m1a = jax.nn.relu(dinv * (s1a_ref[...] + hpa_ref[...]) + b1v[:, :128])
        m1b = jax.nn.relu(dinv * (s1b_ref[...] + hpb_ref[...]) + b1v[:, 128:])
        m1 = jnp.concatenate([m1a, m1b], axis=1)
        h2 = jnp.dot(m1, w2_ref[...], preferred_element_type=jnp.float32)
        o_ref[...] = dinv * h2

    return pl.pallas_call(
        body,
        grid=(_GB,),
        in_specs=[
            pl.BlockSpec((_RB, 128), lambda i: (i, 0)),
            pl.BlockSpec((_RB, 128), lambda i: (_GB + i, 0)),
            pl.BlockSpec((_RB, 128), lambda i: (i, 0)),
            pl.BlockSpec((_RB, 128), lambda i: (_GB + i, 0)),
            pl.BlockSpec((_RB, 128), lambda i: (i, 0)),
            pl.BlockSpec((1, 256), lambda i: (0, 0)),
            pl.BlockSpec((256, 128), lambda i: (0, 0)),
        ],
        out_specs=pl.BlockSpec((_RB, 128), lambda i: (i, 0)),
        out_shape=jax.ShapeDtypeStruct((NP, 128), jnp.float32),
    )(s1, s1, h1p, h1p, dinv_b, b1_2d, W2)


def _tc_final_d(s2, h2p, dinv_b, b2_2d):
    def body(s2a_ref, s2b_ref, hp_ref, dinv_ref, b2_ref, o_ref):
        pre = dinv_ref[...] * (s2a_ref[...] + s2b_ref[...] + hp_ref[...])
        o_ref[...] = jax.nn.sigmoid(pre + b2_ref[...])

    return pl.pallas_call(
        body,
        grid=(_GB,),
        in_specs=[
            pl.BlockSpec((_RB, 128), lambda i: (i, 0)),
            pl.BlockSpec((_RB, 128), lambda i: (_GB + i, 0)),
            pl.BlockSpec((_RB, 128), lambda i: (i, 0)),
            pl.BlockSpec((_RB, 128), lambda i: (i, 0)),
            pl.BlockSpec((1, 128), lambda i: (0, 0)),
        ],
        out_specs=pl.BlockSpec((_RB, 128), lambda i: (i, 0)),
        out_shape=jax.ShapeDtypeStruct((NP, 128), jnp.float32),
    )(s2, s2, h2p, dinv_b, b2_2d)


def kernel(x, edge_index, W1, b1, W2, b2):
    ei = edge_index.astype(jnp.int32)
    src = ei[0]
    dst = ei[1]
    pad = EP - E
    dump = N + (jnp.arange(pad, dtype=jnp.int32) % (NP - N))
    src_pad = jnp.concatenate([src, dump])
    dst_pad = jnp.concatenate([dst, dump])
    src2d = src_pad.reshape(ER, 128)
    dst2d = dst_pad.reshape(ER, 128)
    src_l1 = jnp.concatenate([src2d, src2d + NP], axis=0)

    x_pad = jnp.pad(x, ((0, NP - N), (0, 0)))
    b1_2d = b1.reshape(1, 256)
    b2_2d = b2.reshape(1, 128)

    h1 = _tc_matmul_a(x_pad, W1)
    degp = _sc_degree(dst2d)
    h1p, dinv_b = _tc_scale_b(h1, degp)
    s1 = _sc_layer1(h1p, src_l1, dst2d)
    h2p = _tc_layer2_in(s1, h1p, dinv_b, b1_2d, W2)
    s2 = _sc_layer2(h2p, src2d, dst2d)
    out = _tc_final_d(s2, h2p, dinv_b, b2_2d)
    return out[:N]

# --- scband reference (transcript-rebuilt; emitter-appended) ---
"""Pipeline reference for scband-vge-89472758710367 (READ-ONLY COPY).

The authoritative reference and input builder live on the scoring server;
editing this copy changes nothing except your own understanding.
"""

import jax, jax.numpy as jnp
import numpy as np

N_NODES = 10000

def gcn_conv(x, edge_index, W, b):
    num_nodes = x.shape[0]
    src = edge_index[0]
    dst = edge_index[1]
    # add self loops
    loop = jnp.arange(num_nodes, dtype=edge_index.dtype)
    src = jnp.concatenate([src, loop])
    dst = jnp.concatenate([dst, loop])
    # symmetric normalization D^{-1/2} (A+I) D^{-1/2}
    deg = jnp.zeros((num_nodes,), dtype=x.dtype).at[dst].add(1.0)
    dinv = jnp.where(deg > 0, deg ** -0.5, 0.0)
    norm = dinv[src] * dinv[dst]
    h = x @ W
    msg = h[src] * norm[:, None]
    out = jax.ops.segment_sum(msg, dst, num_segments=num_nodes)
    return out + b

def setup_inputs(seed: int = 0) -> dict:
    key = jax.random.key(seed)
    k1, k2, k3, k4, k5, k6 = jax.random.split(key, 6)
    x = jax.random.normal(k1, (N_NODES, 128), dtype=jnp.float32)
    edge_index = jax.random.randint(k2, (2, 320000), 0, N_NODES, dtype=jnp.int64)
    W1 = jax.random.normal(k3, (128, 256), dtype=jnp.float32) * (1.0 / np.sqrt(128))
    b1 = jnp.zeros((256,), dtype=jnp.float32)
    W2 = jax.random.normal(k4, (256, 128), dtype=jnp.float32) * (1.0 / np.sqrt(256))
    b2 = jnp.zeros((128,), dtype=jnp.float32)
    return {"x": x, "edge_index": edge_index, "W1": W1, "b1": b1, "W2": W2, "b2": b2}

def reference(x, edge_index, W1, b1, W2, b2):
    m = gcn_conv(x, edge_index, W1, b1)
    m = jax.nn.relu(m)
    m = gcn_conv(m, edge_index, W2, b2)
    m = jax.nn.sigmoid(m)
    return m

if __name__ == "__main__":
    import jax
    _d = setup_inputs()
    print(jax.jit(kernel)(*tuple(_d.values())))

</pallas_src>

<mosaic_0001>
#map = affine_map<(d0, d1) -> (0, 0)>
module attributes {stable_mosaic.version = 14 : i64} {
  func.func @k(%arg0: i32, %arg1: i32, %arg2: memref<2560x128xi32, #tpu.memory_space<hbm>>, %arg3: memref<20480x128xf32, #tpu.memory_space<hbm>>, %arg4: memref<80x128xi32, #tpu.memory_space<vmem>>, %arg5: memref<128x128xf32, #tpu.memory_space<vmem>>, %arg6: memref<10240x128xf32, #tpu.memory_space<vmem_shared>>) attributes {dimension_semantics = [#tpu.dimension_semantics<core_parallel>, #tpu.dimension_semantics<subcore_parallel>], iteration_bounds = array<i64: 2, 16>, scalar_prefetch = 0 : i64, scratch_operands = 3 : i64, tpu.core_type = #tpu.core_type<sc_vector_subcore>, window_params = [{transform_indices = #map}, {transform_indices = #map}]} {
    %broadcast_in_dim3A = arith.constant 0.000000e+00 : f32
    %broadcast_in_dim3A_0 = vector.broadcast %broadcast_in_dim3A : f32 to vector<16xf32>
    %scan3A = arith.constant 0 : i32
    %scan3A_1 = arith.constant 128 : i32
    %scan3A_2 = arith.addi %scan3A, %scan3A_1 : i32
    %scan3A_3 = arith.constant 1 : i32
    scf.for %scan3A_33 = %scan3A to %scan3A_2 step %scan3A_3  : i32 {
      %mul3A_34 = arith.constant 1 : i32
      %mul3A_35 = arith.muli %scan3A_33, %mul3A_34 : i32
      %add3A_36 = arith.constant 0 : i32
      %add3A_37 = arith.addi %add3A_36, %mul3A_35 : i32
      %swap3A = arith.index_cast %add3A_37 : i32 to index
      %swap3A_38 = arith.constant 0 : index
      %swap3A_39 = tpu.vector_load %arg5[%swap3A, %swap3A_38] {strides = array<i32>} : memref<128x128xf32, #tpu.memory_space<vmem>>, vector<1x16xf32>,
      %swap3A_40 = vector.shape_cast %swap3A_39 : vector<1x16xf32> to vector<16xf32>
      %swap3A_41 = vector.shape_cast %broadcast_in_dim3A_0 : vector<16xf32> to vector<1x16xf32>
      tpu.vector_store %arg5[%swap3A, %swap3A_38], %swap3A_41 {strides = array<i32>} : memref<128x128xf32, #tpu.memory_space<vmem>>, vector<1x16xf32>,
      %swap3A_42 = arith.index_cast %add3A_37 : i32 to index
      %swap3A_43 = arith.constant 16 : index
      %swap3A_44 = tpu.vector_load %arg5[%swap3A_42, %swap3A_43] {strides = array<i32>} : memref<128x128xf32, #tpu.memory_space<vmem>>, vector<1x16xf32>,
      %swap3A_45 = vector.shape_cast %swap3A_44 : vector<1x16xf32> to vector<16xf32>
      %swap3A_46 = vector.shape_cast %broadcast_in_dim3A_0 : vector<16xf32> to vector<1x16xf32>
      tpu.vector_store %arg5[%swap3A_42, %swap3A_43], %swap3A_46 {strides = array<i32>} : memref<128x128xf32, #tpu.memory_space<vmem>>, vector<1x16xf32>,
      %swap3A_47 = arith.index_cast %add3A_37 : i32 to index
      %swap3A_48 = arith.constant 32 : index
      %swap3A_49 = tpu.vector_load %arg5[%swap3A_47, %swap3A_48] {strides = array<i32>} : memref<128x128xf32, #tpu.memory_space<vmem>>, vector<1x16xf32>,
      %swap3A_50 = vector.shape_cast %swap3A_49 : vector<1x16xf32> to vector<16xf32>
      %swap3A_51 = vector.shape_cast %broadcast_in_dim3A_0 : vector<16xf32> to vector<1x16xf32>
      tpu.vector_store %arg5[%swap3A_47, %swap3A_48], %swap3A_51 {strides = array<i32>} : memref<128x128xf32, #tpu.memory_space<vmem>>, vector<1x16xf32>,
      %swap3A_52 = arith.index_cast %add3A_37 : i32 to index
      %swap3A_53 = arith.constant 48 : index
      %swap3A_54 = tpu.vector_load %arg5[%swap3A_52, %swap3A_53] {strides = array<i32>} : memref<128x128xf32, #tpu.memory_space<vmem>>, vector<1x16xf32>,
      %swap3A_55 = vector.shape_cast %swap3A_54 : vector<1x16xf32> to vector<16xf32>
      %swap3A_56 = vector.shape_cast %broadcast_in_dim3A_0 : vector<16xf32> to vector<1x16xf32>
      tpu.vector_store %arg5[%swap3A_52, %swap3A_53], %swap3A_56 {strides = array<i32>} : memref<128x128xf32, #tpu.memory_space<vmem>>, vector<1x16xf32>,
      %swap3A_57 = arith.index_cast %add3A_37 : i32 to index
      %swap3A_58 = arith.constant 64 : index
      %swap3A_59 = tpu.vector_load %arg5[%swap3A_57, %swap3A_58] {strides = array<i32>} : memref<128x128xf32, #tpu.memory_space<vmem>>, vector<1x16xf32>,
      %swap3A_60 = vector.shape_cast %swap3A_59 : vector<1x16xf32> to vector<16xf32>
      %swap3A_61 = vector.shape_cast %broadcast_in_dim3A_0 : vector<16xf32> to vector<1x16xf32>
      tpu.vector_store %arg5[%swap3A_57, %swap3A_58], %swap3A_61 {strides = array<i32>} : memref<128x128xf32, #tpu.memory_space<vmem>>, vector<1x16xf32>,
      %swap3A_62 = arith.index_cast %add3A_37 : i32 to index
      %swap3A_63 = arith.constant 80 : index
      %swap3A_64 = tpu.vector_load %arg5[%swap3A_62, %swap3A_63] {strides = array<i32>} : memref<128x128xf32, #tpu.memory_space<vmem>>, vector<1x16xf32>,
      %swap3A_65 = vector.shape_cast %swap3A_64 : vector<1x16xf32> to vector<16xf32>
      %swap3A_66 = vector.shape_cast %broadcast_in_dim3A_0 : vector<16xf32> to vector<1x16xf32>
      tpu.vector_store %arg5[%swap3A_62, %swap3A_63], %swap3A_66 {strides = array<i32>} : memref<128x128xf32, #tpu.memory_space<vmem>>, vector<1x16xf32>,
      %swap3A_67 = arith.index_cast %add3A_37 : i32 to index
      %swap3A_68 = arith.constant 96 : index
      %swap3A_69 = tpu.vector_load %arg5[%swap3A_67, %swap3A_68] {strides = array<i32>} : memref<128x128xf32, #tpu.memory_space<vmem>>, vector<1x16xf32>,
      %swap3A_70 = vector.shape_cast %swap3A_69 : vector<1x16xf32> to vector<16xf32>
      %swap3A_71 = vector.shape_cast %broadcast_in_dim3A_0 : vector<16xf32> to vector<1x16xf32>
      tpu.vector_store %arg5[%swap3A_67, %swap3A_68], %swap3A_71 {strides = array<i32>} : memref<128x128xf32, #tpu.memory_space<vmem>>, vector<1x16xf32>,
      %swap3A_72 = arith.index_cast %add3A_37 : i32 to index
      %swap3A_73 = arith.constant 112 : index
      %swap3A_74 = tpu.vector_load %arg5[%swap3A_72, %swap3A_73] {strides = array<i32>} : memref<128x128xf32, #tpu.memory_space<vmem>>, vector<1x16xf32>,
      %swap3A_75 = vector.shape_cast %swap3A_74 : vector<1x16xf32> to vector<16xf32>
      %swap3A_76 = vector.shape_cast %broadcast_in_dim3A_0 : vector<16xf32> to vector<1x16xf32>
      tpu.vector_store %arg5[%swap3A_72, %swap3A_73], %swap3A_76 {strides = array<i32>} : memref<128x128xf32, #tpu.memory_space<vmem>>, vector<1x16xf32>,
    }
    %scan3A_4 = arith.constant 128 : i32
    %scan3A_5 = arith.constant 0 : i32
    %scan3A_6 = arith.constant 5 : i32
    %scan3A_7 = arith.addi %scan3A_5, %scan3A_6 : i32
    %scan3A_8 = arith.constant 1 : i32
    scf.for %scan3A_33 = %scan3A_5 to %scan3A_7 step %scan3A_8  : i32 {
      %mul3A_34 = arith.constant 1 : i32
      %mul3A_35 = arith.muli %scan3A_33, %mul3A_34 : i32
      %add3A_36 = arith.constant 0 : i32
      %add3A_37 = arith.addi %add3A_36, %mul3A_35 : i32
      %mul3A_38 = arith.constant 640 : i32
      %mul3A_39 = arith.muli %arg1, %mul3A_38 : i32
      %mul3A_40 = arith.constant 128 : i32
      %mul3A_41 = arith.muli %add3A_37, %mul3A_40 : i32
      %add3A_42 = arith.addi %mul3A_39, %mul3A_41 : i32
      "tpu.region"() ({
        %run_scoped3A = tpu.sem_alloc : memref<!tpu.dma_semaphore, #tpu.memory_space<semaphore_mem>>
        %dma_start3A = arith.constant 0 : i32
        %dma_start3A_43 = tpu.memref_slice %arg6[%add3A_42, %dma_start3A] : memref<10240x128xf32, #tpu.memory_space<vmem_shared>> -> memref<128x128xf32, #tpu.memory_space<vmem_shared>>
        %dma_start3A_44 = arith.constant 0 : i32
        %dma_start3A_45 = tpu.memref_slice %arg6[%add3A_42, %dma_start3A_44] : memref<10240x128xf32, #tpu.memory_space<vmem_shared>> -> memref<128x128xf32, #tpu.memory_space<vmem_shared>>
        tpu.enqueue_dma source(%arg5 : memref<128x128xf32, #tpu.memory_space<vmem>>) target(%dma_start3A_45 : memref<128x128xf32, #tpu.memory_space<vmem_shared>>) target_semaphore(%run_scoped3A : memref<!tpu.dma_semaphore, #tpu.memory_space<semaphore_mem>>)
        %dma_wait3A = arith.constant 0 : i32
        %dma_wait3A_46 = tpu.memref_slice %arg6[%add3A_42, %dma_wait3A] : memref<10240x128xf32, #tpu.memory_space<vmem_shared>> -> memref<128x128xf32, #tpu.memory_space<vmem_shared>>
        %dma_wait3A_47 = arith.constant 0 : i32
        %dma_wait3A_48 = tpu.memref_slice %arg6[%add3A_42, %dma_wait3A_47] : memref<10240x128xf32, #tpu.memory_space<vmem_shared>> -> memref<128x128xf32, #tpu.memory_space<vmem_shared>>
        tpu.wait_dma2 semaphore(%run_scoped3A : memref<!tpu.dma_semaphore, #tpu.memory_space<semaphore_mem>>) src(%arg5 : memref<128x128xf32, #tpu.memory_space<vmem>>) dst(%dma_wait3A_48 : memref<128x128xf32, #tpu.memory_space<vmem_shared>>)
        tpu.yield
      }) : () -> ()
    }
    %scan3A_9 = arith.constant 5 : i32
    %broadcast_in_dim3A_10 = arith.constant 1.000000e+00 : f32
    %broadcast_in_dim3A_11 = vector.broadcast %broadcast_in_dim3A_10 : f32 to vector<16xf32>
    %scan3A_12 = arith.constant 0 : i32
    %scan3A_13 = arith.constant 128 : i32
    %scan3A_14 = arith.addi %scan3A_12, %scan3A_13 : i32
    %scan3A_15 = arith.constant 1 : i32
    scf.for %scan3A_33 = %scan3A_12 to %scan3A_14 step %scan3A_15  : i32 {
      %mul3A_34 = arith.constant 1 : i32
      %mul3A_35 = arith.muli %scan3A_33, %mul3A_34 : i32
      %add3A_36 = arith.constant 0 : i32
      %add3A_37 = arith.addi %add3A_36, %mul3A_35 : i32
      %swap3A = arith.index_cast %add3A_37 : i32 to index
      %swap3A_38 = arith.constant 0 : index
      %swap3A_39 = tpu.vector_load %arg5[%swap3A, %swap3A_38] {strides = array<i32>} : memref<128x128xf32, #tpu.memory_space<vmem>>, vector<1x16xf32>,
      %swap3A_40 = vector.shape_cast %swap3A_39 : vector<1x16xf32> to vector<16xf32>
      %swap3A_41 = vector.shape_cast %broadcast_in_dim3A_11 : vector<16xf32> to vector<1x16xf32>
      tpu.vector_store %arg5[%swap3A, %swap3A_38], %swap3A_41 {strides = array<i32>} : memref<128x128xf32, #tpu.memory_space<vmem>>, vector<1x16xf32>,
      %swap3A_42 = arith.index_cast %add3A_37 : i32 to index
      %swap3A_43 = arith.constant 16 : index
      %swap3A_44 = tpu.vector_load %arg5[%swap3A_42, %swap3A_43] {strides = array<i32>} : memref<128x128xf32, #tpu.memory_space<vmem>>, vector<1x16xf32>,
      %swap3A_45 = vector.shape_cast %swap3A_44 : vector<1x16xf32> to vector<16xf32>
      %swap3A_46 = vector.shape_cast %broadcast_in_dim3A_11 : vector<16xf32> to vector<1x16xf32>
      tpu.vector_store %arg5[%swap3A_42, %swap3A_43], %swap3A_46 {strides = array<i32>} : memref<128x128xf32, #tpu.memory_space<vmem>>, vector<1x16xf32>,
      %swap3A_47 = arith.index_cast %add3A_37 : i32 to index
      %swap3A_48 = arith.constant 32 : index
      %swap3A_49 = tpu.vector_load %arg5[%swap3A_47, %swap3A_48] {strides = array<i32>} : memref<128x128xf32, #tpu.memory_space<vmem>>, vector<1x16xf32>,
      %swap3A_50 = vector.shape_cast %swap3A_49 : vector<1x16xf32> to vector<16xf32>
      %swap3A_51 = vector.shape_cast %broadcast_in_dim3A_11 : vector<16xf32> to vector<1x16xf32>
      tpu.vector_store %arg5[%swap3A_47, %swap3A_48], %swap3A_51 {strides = array<i32>} : memref<128x128xf32, #tpu.memory_space<vmem>>, vector<1x16xf32>,
      %swap3A_52 = arith.index_cast %add3A_37 : i32 to index
      %swap3A_53 = arith.constant 48 : index
      %swap3A_54 = tpu.vector_load %arg5[%swap3A_52, %swap3A_53] {strides = array<i32>} : memref<128x128xf32, #tpu.memory_space<vmem>>, vector<1x16xf32>,
      %swap3A_55 = vector.shape_cast %swap3A_54 : vector<1x16xf32> to vector<16xf32>
      %swap3A_56 = vector.shape_cast %broadcast_in_dim3A_11 : vector<16xf32> to vector<1x16xf32>
      tpu.vector_store %arg5[%swap3A_52, %swap3A_53], %swap3A_56 {strides = array<i32>} : memref<128x128xf32, #tpu.memory_space<vmem>>, vector<1x16xf32>,
      %swap3A_57 = arith.index_cast %add3A_37 : i32 to index
      %swap3A_58 = arith.constant 64 : index
      %swap3A_59 = tpu.vector_load %arg5[%swap3A_57, %swap3A_58] {strides = array<i32>} : memref<128x128xf32, #tpu.memory_space<vmem>>, vector<1x16xf32>,
      %swap3A_60 = vector.shape_cast %swap3A_59 : vector<1x16xf32> to vector<16xf32>
      %swap3A_61 = vector.shape_cast %broadcast_in_dim3A_11 : vector<16xf32> to vector<1x16xf32>
      tpu.vector_store %arg5[%swap3A_57, %swap3A_58], %swap3A_61 {strides = array<i32>} : memref<128x128xf32, #tpu.memory_space<vmem>>, vector<1x16xf32>,
      %swap3A_62 = arith.index_cast %add3A_37 : i32 to index
      %swap3A_63 = arith.constant 80 : index
      %swap3A_64 = tpu.vector_load %arg5[%swap3A_62, %swap3A_63] {strides = array<i32>} : memref<128x128xf32, #tpu.memory_space<vmem>>, vector<1x16xf32>,
      %swap3A_65 = vector.shape_cast %swap3A_64 : vector<1x16xf32> to vector<16xf32>
      %swap3A_66 = vector.shape_cast %broadcast_in_dim3A_11 : vector<16xf32> to vector<1x16xf32>
      tpu.vector_store %arg5[%swap3A_62, %swap3A_63], %swap3A_66 {strides = array<i32>} : memref<128x128xf32, #tpu.memory_space<vmem>>, vector<1x16xf32>,
      %swap3A_67 = arith.index_cast %add3A_37 : i32 to index
      %swap3A_68 = arith.constant 96 : index
      %swap3A_69 = tpu.vector_load %arg5[%swap3A_67, %swap3A_68] {strides = array<i32>} : memref<128x128xf32, #tpu.memory_space<vmem>>, vector<1x16xf32>,
      %swap3A_70 = vector.shape_cast %swap3A_69 : vector<1x16xf32> to vector<16xf32>
      %swap3A_71 = vector.shape_cast %broadcast_in_dim3A_11 : vector<16xf32> to vector<1x16xf32>
      tpu.vector_store %arg5[%swap3A_67, %swap3A_68], %swap3A_71 {strides = array<i32>} : memref<128x128xf32, #tpu.memory_space<vmem>>, vector<1x16xf32>,
      %swap3A_72 = arith.index_cast %add3A_37 : i32 to index
      %swap3A_73 = arith.constant 112 : index
      %swap3A_74 = tpu.vector_load %arg5[%swap3A_72, %swap3A_73] {strides = array<i32>} : memref<128x128xf32, #tpu.memory_space<vmem>>, vector<1x16xf32>,
      %swap3A_75 = vector.shape_cast %swap3A_74 : vector<1x16xf32> to vector<16xf32>
      %swap3A_76 = vector.shape_cast %broadcast_in_dim3A_11 : vector<16xf32> to vector<1x16xf32>
      tpu.vector_store %arg5[%swap3A_72, %swap3A_73], %swap3A_76 {strides = array<i32>} : memref<128x128xf32, #tpu.memory_space<vmem>>, vector<1x16xf32>,
    }
    %scan3A_16 = arith.constant 128 : i32
    %mul3A = arith.constant 1280 : i32
    %mul3A_17 = arith.muli %arg0, %mul3A : i32
    %mul3A_18 = arith.constant 80 : i32
    %mul3A_19 = arith.muli %arg1, %mul3A_18 : i32
    %add3A = arith.addi %mul3A_17, %mul3A_19 : i32
    "tpu.region"() ({
      %run_scoped3A = tpu.sem_alloc : memref<!tpu.dma_semaphore, #tpu.memory_space<semaphore_mem>>
      %dma_start3A = arith.constant 0 : i32
      %dma_start3A_33 = tpu.memref_slice %arg2[%add3A, %dma_start3A] : memref<2560x128xi32, #tpu.memory_space<hbm>> -> memref<80x128xi32, #tpu.memory_space<hbm>>
      %dma_start3A_34 = arith.constant 0 : i32
      %dma_start3A_35 = tpu.memref_slice %arg2[%add3A, %dma_start3A_34] : memref<2560x128xi32, #tpu.memory_space<hbm>> -> memref<80x128xi32, #tpu.memory_space<hbm>>
      tpu.enqueue_dma source(%dma_start3A_35 : memref<80x128xi32, #tpu.memory_space<hbm>>) target(%arg4 : memref<80x128xi32, #tpu.memory_space<vmem>>) target_semaphore(%run_scoped3A : memref<!tpu.dma_semaphore, #tpu.memory_space<semaphore_mem>>)
      %dma_wait3A = arith.constant 0 : i32
      %dma_wait3A_36 = tpu.memref_slice %arg2[%add3A, %dma_wait3A] : memref<2560x128xi32, #tpu.memory_space<hbm>> -> memref<80x128xi32, #tpu.memory_space<hbm>>
      %dma_wait3A_37 = arith.constant 0 : i32
      %dma_wait3A_38 = tpu.memref_slice %arg2[%add3A, %dma_wait3A_37] : memref<2560x128xi32, #tpu.memory_space<hbm>> -> memref<80x128xi32, #tpu.memory_space<hbm>>
      tpu.wait_dma2 semaphore(%run_scoped3A : memref<!tpu.dma_semaphore, #tpu.memory_space<semaphore_mem>>) src(%dma_wait3A_38 : memref<80x128xi32, #tpu.memory_space<hbm>>) dst(%arg4 : memref<80x128xi32, #tpu.memory_space<vmem>>)
      tpu.yield
    }) : () -> ()
    %barrier3A = arith.constant 0 : index
    tpu.barrier barrier_id(%barrier3A)
    %scan3A_20 = arith.constant 0 : i32
    %scan3A_21 = arith.constant 80 : i32
    %scan3A_22 = arith.addi %scan3A_20, %scan3A_21 : i32
    %scan3A_23 = arith.constant 1 : i32
    scf.for %scan3A_33 = %scan3A_20 to %scan3A_22 step %scan3A_23  : i32 {
      %mul3A_34 = arith.constant 1 : i32
      %mul3A_35 = arith.muli %scan3A_33, %mul3A_34 : i32
      %add3A_36 = arith.constant 0 : i32
      %add3A_37 = arith.addi %add3A_36, %mul3A_35 : i32
      "tpu.region"() ({
        %run_scoped3A = tpu.sem_alloc : memref<!tpu.dma_semaphore, #tpu.memory_space<semaphore_mem>>
        %dma_start3A = arith.constant 0 : i32
        %dma_start3A_38 = tpu.memref_slice %arg4[%add3A_37, %dma_start3A] : memref<80x128xi32, #tpu.memory_space<vmem>> -> memref<1x128xi32, #tpu.memory_space<vmem>>
        %dma_start3A_39 = tpu.memref_squeeze %dma_start3A_38 : memref<1x128xi32, #tpu.memory_space<vmem>> -> memref<128xi32, #tpu.memory_space<vmem>>
        %dma_start3A_40 = arith.constant 0 : i32
        %dma_start3A_41 = arith.constant 0 : i32
        %dma_start3A_42 = tpu.memref_slice %arg6[%dma_start3A_40, %dma_start3A_41] : memref<10240x128xf32, #tpu.memory_space<vmem_shared>> -> memref<10240x128xf32, #tpu.memory_space<vmem_shared>>
        tpu.enqueue_indirect_dma source(%arg5 : memref<128x128xf32, #tpu.memory_space<vmem>>) target(%dma_start3A_42 : memref<10240x128xf32, #tpu.memory_space<vmem_shared>>) offsets(%dma_start3A_39 : memref<128xi32, #tpu.memory_space<vmem>>) semaphore(%run_scoped3A : memref<!tpu.dma_semaphore, #tpu.memory_space<semaphore_mem>>) {add = true}
        %dma_wait3A = arith.constant 0 : i32
        %dma_wait3A_43 = tpu.memref_slice %arg4[%add3A_37, %dma_wait3A] : memref<80x128xi32, #tpu.memory_space<vmem>> -> memref<1x128xi32, #tpu.memory_space<vmem>>
        %dma_wait3A_44 = tpu.memref_squeeze %dma_wait3A_43 : memref<1x128xi32, #tpu.memory_space<vmem>> -> memref<128xi32, #tpu.memory_space<vmem>>
        %dma_wait3A_45 = arith.constant 0 : i32
        %dma_wait3A_46 = arith.constant 0 : i32
        %dma_wait3A_47 = tpu.memref_slice %arg6[%dma_wait3A_45, %dma_wait3A_46] : memref<10240x128xf32, #tpu.memory_space<vmem_shared>> -> memref<10240x128xf32, #tpu.memory_space<vmem_shared>>
        tpu.wait_indirect_dma semaphore(%run_scoped3A : memref<!tpu.dma_semaphore, #tpu.memory_space<semaphore_mem>>) src(%arg5 : memref<128x128xf32, #tpu.memory_space<vmem>>) dst(%dma_wait3A_47 : memref<10240x128xf32, #tpu.memory_space<vmem_shared>>)
        tpu.yield
      }) : () -> ()
    }
    %scan3A_24 = arith.constant 80 : i32
    %barrier3A_25 = arith.constant 0 : index
    tpu.barrier barrier_id(%barrier3A_25)
    %mul3A_26 = arith.constant 640 : i32
    %mul3A_27 = arith.muli %arg1, %mul3A_26 : i32
    %mul3A_28 = arith.constant 10240 : i32
    %mul3A_29 = arith.muli %arg0, %mul3A_28 : i32
    %mul3A_30 = arith.constant 640 : i32
    %mul3A_31 = arith.muli %arg1, %mul3A_30 : i32
    %add3A_32 = arith.addi %mul3A_29, %mul3A_31 : i32
    "tpu.region"() ({
      %run_scoped3A = tpu.sem_alloc : memref<!tpu.dma_semaphore, #tpu.memory_space<semaphore_mem>>
      %dma_start3A = arith.constant 0 : i32
      %dma_start3A_33 = tpu.memref_slice %arg3[%add3A_32, %dma_start3A] : memref<20480x128xf32, #tpu.memory_space<hbm>> -> memref<640x128xf32, #tpu.memory_space<hbm>>
      %dma_start3A_34 = arith.constant 0 : i32
      %dma_start3A_35 = tpu.memref_slice %arg6[%mul3A_27, %dma_start3A_34] : memref<10240x128xf32, #tpu.memory_space<vmem_shared>> -> memref<640x128xf32, #tpu.memory_space<vmem_shared>>
      tpu.enqueue_dma source(%dma_start3A_35 : memref<640x128xf32, #tpu.memory_space<vmem_shared>>) target(%dma_start3A_33 : memref<640x128xf32, #tpu.memory_space<hbm>>) target_semaphore(%run_scoped3A : memref<!tpu.dma_semaphore, #tpu.memory_space<semaphore_mem>>)
      %dma_wait3A = arith.constant 0 : i32
      %dma_wait3A_36 = tpu.memref_slice %arg3[%add3A_32, %dma_wait3A] : memref<20480x128xf32, #tpu.memory_space<hbm>> -> memref<640x128xf32, #tpu.memory_space<hbm>>
      %dma_wait3A_37 = arith.constant 0 : i32
      %dma_wait3A_38 = tpu.memref_slice %arg6[%mul3A_27, %dma_wait3A_37] : memref<10240x128xf32, #tpu.memory_space<vmem_shared>> -> memref<640x128xf32, #tpu.memory_space<vmem_shared>>
      tpu.wait_dma2 semaphore(%run_scoped3A : memref<!tpu.dma_semaphore, #tpu.memory_space<semaphore_mem>>) src(%dma_wait3A_38 : memref<640x128xf32, #tpu.memory_space<vmem_shared>>) dst(%dma_wait3A_36 : memref<640x128xf32, #tpu.memory_space<hbm>>)
      tpu.yield
    }) : () -> ()
    return
  }
}

#map = affine_map<(d0, d1) -> (0, 0)>
module attributes {stable_mosaic.version = 14 : i64} {
  func.func @k(%arg0: i32, %arg1: i32, %arg2: memref<10240x128xf32, #tpu.memory_space<hbm>>, %arg3: memref<2560x128xi32, #tpu.memory_space<hbm>>, %arg4: memref<2560x128xi32, #tpu.memory_space<hbm>>, %arg5: memref<20480x128xf32, #tpu.memory_space<hbm>>, %arg6: memref<40x128xi32, #tpu.memory_space<vmem>>, %arg7: memref<40x128xi32, #tpu.memory_space<vmem>>, %arg8: memref<128x128xf32, #tpu.memory_space<vmem>>, %arg9: memref<128x128xf32, #tpu.memory_space<vmem>>, %arg10: memref<10240x128xf32, #tpu.memory_space<vmem_shared>>, %arg11: memref<!tpu.dma_semaphore, #tpu.memory_space<semaphore_mem>>, %arg12: memref<!tpu.dma_semaphore, #tpu.memory_space<semaphore_mem>>) attributes {dimension_semantics = [#tpu.dimension_semantics<core_parallel>, #tpu.dimension_semantics<subcore_parallel>], iteration_bounds = array<i64: 2, 16>, scalar_prefetch = 0 : i64, scratch_operands = 7 : i64, tpu.core_type = #tpu.core_type<sc_vector_subcore>, window_params = [{transform_indices = #map}, {transform_indices = #map}, {transform_indices = #map}, {transform_indices = #map}]} {
    %broadcast_in_dim3A = arith.constant 0.000000e+00 : f32
    %broadcast_in_dim3A_0 = vector.broadcast %broadcast_in_dim3A : f32 to vector<16xf32>
    %scan3A = arith.constant 0 : i32
    %scan3A_1 = arith.constant 128 : i32
    %scan3A_2 = arith.addi %scan3A, %scan3A_1 : i32
    %scan3A_3 = arith.constant 1 : i32
    scf.for %scan3A_31 = %scan3A to %scan3A_2 step %scan3A_3  : i32 {
      %mul3A_32 = arith.constant 1 : i32
      %mul3A_33 = arith.muli %scan3A_31, %mul3A_32 : i32
      %add3A_34 = arith.constant 0 : i32
      %add3A_35 = arith.addi %add3A_34, %mul3A_33 : i32
      %swap3A = arith.index_cast %add3A_35 : i32 to index
      %swap3A_36 = arith.constant 0 : index
      %swap3A_37 = tpu.vector_load %arg8[%swap3A, %swap3A_36] {strides = array<i32>} : memref<128x128xf32, #tpu.memory_space<vmem>>, vector<1x16xf32>,
      %swap3A_38 = vector.shape_cast %swap3A_37 : vector<1x16xf32> to vector<16xf32>
      %swap3A_39 = vector.shape_cast %broadcast_in_dim3A_0 : vector<16xf32> to vector<1x16xf32>
      tpu.vector_store %arg8[%swap3A, %swap3A_36], %swap3A_39 {strides = array<i32>} : memref<128x128xf32, #tpu.memory_space<vmem>>, vector<1x16xf32>,
      %swap3A_40 = arith.index_cast %add3A_35 : i32 to index
      %swap3A_41 = arith.constant 16 : index
      %swap3A_42 = tpu.vector_load %arg8[%swap3A_40, %swap3A_41] {strides = array<i32>} : memref<128x128xf32, #tpu.memory_space<vmem>>, vector<1x16xf32>,
      %swap3A_43 = vector.shape_cast %swap3A_42 : vector<1x16xf32> to vector<16xf32>
      %swap3A_44 = vector.shape_cast %broadcast_in_dim3A_0 : vector<16xf32> to vector<1x16xf32>
      tpu.vector_store %arg8[%swap3A_40, %swap3A_41], %swap3A_44 {strides = array<i32>} : memref<128x128xf32, #tpu.memory_space<vmem>>, vector<1x16xf32>,
      %swap3A_45 = arith.index_cast %add3A_35 : i32 to index
      %swap3A_46 = arith.constant 32 : index
      %swap3A_47 = tpu.vector_load %arg8[%swap3A_45, %swap3A_46] {strides = array<i32>} : memref<128x128xf32, #tpu.memory_space<vmem>>, vector<1x16xf32>,
      %swap3A_48 = vector.shape_cast %swap3A_47 : vector<1x16xf32> to vector<16xf32>
      %swap3A_49 = vector.shape_cast %broadcast_in_dim3A_0 : vector<16xf32> to vector<1x16xf32>
      tpu.vector_store %arg8[%swap3A_45, %swap3A_46], %swap3A_49 {strides = array<i32>} : memref<128x128xf32, #tpu.memory_space<vmem>>, vector<1x16xf32>,
      %swap3A_50 = arith.index_cast %add3A_35 : i32 to index
      %swap3A_51 = arith.constant 48 : index
      %swap3A_52 = tpu.vector_load %arg8[%swap3A_50, %swap3A_51] {strides = array<i32>} : memref<128x128xf32, #tpu.memory_space<vmem>>, vector<1x16xf32>,
      %swap3A_53 = vector.shape_cast %swap3A_52 : vector<1x16xf32> to vector<16xf32>
      %swap3A_54 = vector.shape_cast %broadcast_in_dim3A_0 : vector<16xf32> to vector<1x16xf32>
      tpu.vector_store %arg8[%swap3A_50, %swap3A_51], %swap3A_54 {strides = array<i32>} : memref<128x128xf32, #tpu.memory_space<vmem>>, vector<1x16xf32>,
      %swap3A_55 = arith.index_cast %add3A_35 : i32 to index
      %swap3A_56 = arith.constant 64 : index
      %swap3A_57 = tpu.vector_load %arg8[%swap3A_55, %swap3A_56] {strides = array<i32>} : memref<128x128xf32, #tpu.memory_space<vmem>>, vector<1x16xf32>,
      %swap3A_58 = vector.shape_cast %swap3A_57 : vector<1x16xf32> to vector<16xf32>
      %swap3A_59 = vector.shape_cast %broadcast_in_dim3A_0 : vector<16xf32> to vector<1x16xf32>
      tpu.vector_store %arg8[%swap3A_55, %swap3A_56], %swap3A_59 {strides = array<i32>} : memref<128x128xf32, #tpu.memory_space<vmem>>, vector<1x16xf32>,
      %swap3A_60 = arith.index_cast %add3A_35 : i32 to index
      %swap3A_61 = arith.constant 80 : index
      %swap3A_62 = tpu.vector_load %arg8[%swap3A_60, %swap3A_61] {strides = array<i32>} : memref<128x128xf32, #tpu.memory_space<vmem>>, vector<1x16xf32>,
      %swap3A_63 = vector.shape_cast %swap3A_62 : vector<1x16xf32> to vector<16xf32>
      %swap3A_64 = vector.shape_cast %broadcast_in_dim3A_0 : vector<16xf32> to vector<1x16xf32>
      tpu.vector_store %arg8[%swap3A_60, %swap3A_61], %swap3A_64 {strides = array<i32>} : memref<128x128xf32, #tpu.memory_space<vmem>>, vector<1x16xf32>,
      %swap3A_65 = arith.index_cast %add3A_35 : i32 to index
      %swap3A_66 = arith.constant 96 : index
      %swap3A_67 = tpu.vector_load %arg8[%swap3A_65, %swap3A_66] {strides = array<i32>} : memref<128x128xf32, #tpu.memory_space<vmem>>, vector<1x16xf32>,
      %swap3A_68 = vector.shape_cast %swap3A_67 : vector<1x16xf32> to vector<16xf32>
      %swap3A_69 = vector.shape_cast %broadcast_in_dim3A_0 : vector<16xf32> to vector<1x16xf32>
      tpu.vector_store %arg8[%swap3A_65, %swap3A_66], %swap3A_69 {strides = array<i32>} : memref<128x128xf32, #tpu.memory_space<vmem>>, vector<1x16xf32>,
      %swap3A_70 = arith.index_cast %add3A_35 : i32 to index
      %swap3A_71 = arith.constant 112 : index
      %swap3A_72 = tpu.vector_load %arg8[%swap3A_70, %swap3A_71] {strides = array<i32>} : memref<128x128xf32, #tpu.memory_space<vmem>>, vector<1x16xf32>,
      %swap3A_73 = vector.shape_cast %swap3A_72 : vector<1x16xf32> to vector<16xf32>
      %swap3A_74 = vector.shape_cast %broadcast_in_dim3A_0 : vector<16xf32> to vector<1x16xf32>
      tpu.vector_store %arg8[%swap3A_70, %swap3A_71], %swap3A_74 {strides = array<i32>} : memref<128x128xf32, #tpu.memory_space<vmem>>, vector<1x16xf32>,
    }
    %scan3A_4 = arith.constant 128 : i32
    %scan3A_5 = arith.constant 0 : i32
    %scan3A_6 = arith.constant 5 : i32
    %scan3A_7 = arith.addi %scan3A_5, %scan3A_6 : i32
    %scan3A_8 = arith.constant 1 : i32
    scf.for %scan3A_31 = %scan3A_5 to %scan3A_7 step %scan3A_8  : i32 {
      %mul3A_32 = arith.constant 1 : i32
      %mul3A_33 = arith.muli %scan3A_31, %mul3A_32 : i32
      %add3A_34 = arith.constant 0 : i32
      %add3A_35 = arith.addi %add3A_34, %mul3A_33 : i32
      %mul3A_36 = arith.constant 640 : i32
      %mul3A_37 = arith.muli %arg1, %mul3A_36 : i32
      %mul3A_38 = arith.constant 128 : i32
      %mul3A_39 = arith.muli %add3A_35, %mul3A_38 : i32
      %add3A_40 = arith.addi %mul3A_37, %mul3A_39 : i32
      "tpu.region"() ({
        %run_scoped3A = tpu.sem_alloc : memref<!tpu.dma_semaphore, #tpu.memory_space<semaphore_mem>>
        %dma_start3A = arith.constant 0 : i32
        %dma_start3A_41 = tpu.memref_slice %arg10[%add3A_40, %dma_start3A] : memref<10240x128xf32, #tpu.memory_space<vmem_shared>> -> memref<128x128xf32, #tpu.memory_space<vmem_shared>>
        %dma_start3A_42 = arith.constant 0 : i32
        %dma_start3A_43 = tpu.memref_slice %arg10[%add3A_40, %dma_start3A_42] : memref<10240x128xf32, #tpu.memory_space<vmem_shared>> -> memref<128x128xf32, #tpu.memory_space<vmem_shared>>
        tpu.enqueue_dma source(%arg8 : memref<128x128xf32, #tpu.memory_space<vmem>>) target(%dma_start3A_43 : memref<128x128xf32, #tpu.memory_space<vmem_shared>>) target_semaphore(%run_scoped3A : memref<!tpu.dma_semaphore, #tpu.memory_space<semaphore_mem>>)
        %dma_wait3A = arith.constant 0 : i32
        %dma_wait3A_44 = tpu.memref_slice %arg10[%add3A_40, %dma_wait3A] : memref<10240x128xf32, #tpu.memory_space<vmem_shared>> -> memref<128x128xf32, #tpu.memory_space<vmem_shared>>
        %dma_wait3A_45 = arith.constant 0 : i32
        %dma_wait3A_46 = tpu.memref_slice %arg10[%add3A_40, %dma_wait3A_45] : memref<10240x128xf32, #tpu.memory_space<vmem_shared>> -> memref<128x128xf32, #tpu.memory_space<vmem_shared>>
        tpu.wait_dma2 semaphore(%run_scoped3A : memref<!tpu.dma_semaphore, #tpu.memory_space<semaphore_mem>>) src(%arg8 : memref<128x128xf32, #tpu.memory_space<vmem>>) dst(%dma_wait3A_46 : memref<128x128xf32, #tpu.memory_space<vmem_shared>>)
        tpu.yield
      }) : () -> ()
    }
    %scan3A_9 = arith.constant 5 : i32
    %barrier3A = arith.constant 0 : index
    tpu.barrier barrier_id(%barrier3A)
    %mul3A = arith.constant 1280 : i32
    %mul3A_10 = arith.muli %arg0, %mul3A : i32
    %mul3A_11 = arith.constant 80 : i32
    %mul3A_12 = arith.muli %arg1, %mul3A_11 : i32
    %add3A = arith.addi %mul3A_10, %mul3A_12 : i32
    %mul3A_13 = arith.constant 1280 : i32
    %mul3A_14 = arith.muli %arg0, %mul3A_13 : i32
    %mul3A_15 = arith.constant 80 : i32
    %mul3A_16 = arith.muli %arg1, %mul3A_15 : i32
    %add3A_17 = arith.addi %mul3A_14, %mul3A_16 : i32
    %scan3A_18 = arith.constant 0 : i32
    %scan3A_19 = arith.constant 2 : i32
    %scan3A_20 = arith.addi %scan3A_18, %scan3A_19 : i32
    %scan3A_21 = arith.constant 1 : i32
    scf.for %scan3A_31 = %scan3A_18 to %scan3A_20 step %scan3A_21  : i32 {
      %mul3A_32 = arith.constant 1 : i32
      %mul3A_33 = arith.muli %scan3A_31, %mul3A_32 : i32
      %add3A_34 = arith.constant 0 : i32
      %add3A_35 = arith.addi %add3A_34, %mul3A_33 : i32
      %mul3A_36 = arith.constant 40 : i32
      %mul3A_37 = arith.muli %add3A_35, %mul3A_36 : i32
      %add3A_38 = arith.addi %add3A, %mul3A_37 : i32
      "tpu.region"() ({
        %run_scoped3A = tpu.sem_alloc : memref<!tpu.dma_semaphore, #tpu.memory_space<semaphore_mem>>
        %dma_start3A_53 = arith.constant 0 : i32
        %dma_start3A_54 = tpu.memref_slice %arg3[%add3A_38, %dma_start3A_53] : memref<2560x128xi32, #tpu.memory_space<hbm>> -> memref<40x128xi32, #tpu.memory_space<hbm>>
        %dma_start3A_55 = arith.constant 0 : i32
        %dma_start3A_56 = tpu.memref_slice %arg3[%add3A_38, %dma_start3A_55] : memref<2560x128xi32, #tpu.memory_space<hbm>> -> memref<40x128xi32, #tpu.memory_space<hbm>>
        tpu.enqueue_dma source(%dma_start3A_56 : memref<40x128xi32, #tpu.memory_space<hbm>>) target(%arg6 : memref<40x128xi32, #tpu.memory_space<vmem>>) target_semaphore(%run_scoped3A : memref<!tpu.dma_semaphore, #tpu.memory_space<semaphore_mem>>)
        %dma_wait3A = arith.constant 0 : i32
        %dma_wait3A_57 = tpu.memref_slice %arg3[%add3A_38, %dma_wait3A] : memref<2560x128xi32, #tpu.memory_space<hbm>> -> memref<40x128xi32, #tpu.memory_space<hbm>>
        %dma_wait3A_58 = arith.constant 0 : i32
        %dma_wait3A_59 = tpu.memref_slice %arg3[%add3A_38, %dma_wait3A_58] : memref<2560x128xi32, #tpu.memory_space<hbm>> -> memref<40x128xi32, #tpu.memory_space<hbm>>
        tpu.wait_dma2 semaphore(%run_scoped3A : memref<!tpu.dma_semaphore, #tpu.memory_space<semaphore_mem>>) src(%dma_wait3A_59 : memref<40x128xi32, #tpu.memory_space<hbm>>) dst(%arg6 : memref<40x128xi32, #tpu.memory_space<vmem>>)
        tpu.yield
      }) : () -> ()
      %mul3A_39 = arith.constant 40 : i32
      %mul3A_40 = arith.muli %add3A_35, %mul3A_39 : i32
      %add3A_41 = arith.addi %add3A_17, %mul3A_40 : i32
      "tpu.region"() ({
        %run_scoped3A = tpu.sem_alloc : memref<!tpu.dma_semaphore, #tpu.memory_space<semaphore_mem>>
        %dma_start3A_53 = arith.constant 0 : i32
        %dma_start3A_54 = tpu.memref_slice %arg4[%add3A_41, %dma_start3A_53] : memref<2560x128xi32, #tpu.memory_space<hbm>> -> memref<40x128xi32, #tpu.memory_space<hbm>>
        %dma_start3A_55 = arith.constant 0 : i32
        %dma_start3A_56 = tpu.memref_slice %arg4[%add3A_41, %dma_start3A_55] : memref<2560x128xi32, #tpu.memory_space<hbm>> -> memref<40x128xi32, #tpu.memory_space<hbm>>
        tpu.enqueue_dma source(%dma_start3A_56 : memref<40x128xi32, #tpu.memory_space<hbm>>) target(%arg7 : memref<40x128xi32, #tpu.memory_space<vmem>>) target_semaphore(%run_scoped3A : memref<!tpu.dma_semaphore, #tpu.memory_space<semaphore_mem>>)
        %dma_wait3A = arith.constant 0 : i32
        %dma_wait3A_57 = tpu.memref_slice %arg4[%add3A_41, %dma_wait3A] : memref<2560x128xi32, #tpu.memory_space<hbm>> -> memref<40x128xi32, #tpu.memory_space<hbm>>
        %dma_wait3A_58 = arith.constant 0 : i32
        %dma_wait3A_59 = tpu.memref_slice %arg4[%add3A_41, %dma_wait3A_58] : memref<2560x128xi32, #tpu.memory_space<hbm>> -> memref<40x128xi32, #tpu.memory_space<hbm>>
        tpu.wait_dma2 semaphore(%run_scoped3A : memref<!tpu.dma_semaphore, #tpu.memory_space<semaphore_mem>>) src(%dma_wait3A_59 : memref<40x128xi32, #tpu.memory_space<hbm>>) dst(%arg7 : memref<40x128xi32, #tpu.memory_space<vmem>>)
        tpu.yield
      }) : () -> ()
      %dma_start3A = arith.constant 0 : i32
      %dma_start3A_42 = arith.constant 0 : i32
      %dma_start3A_43 = tpu.memref_slice %arg6[%dma_start3A, %dma_start3A_42] : memref<40x128xi32, #tpu.memory_space<vmem>> -> memref<1x128xi32, #tpu.memory_space<vmem>>
      %dma_start3A_44 = tpu.memref_squeeze %dma_start3A_43 : memref<1x128xi32, #tpu.memory_space<vmem>> -> memref<128xi32, #tpu.memory_space<vmem>>
      %dma_start3A_45 = arith.constant 0 : i32
      %dma_start3A_46 = arith.constant 0 : i32
      %dma_start3A_47 = tpu.memref_slice %arg2[%dma_start3A_45, %dma_start3A_46] : memref<10240x128xf32, #tpu.memory_space<hbm>> -> memref<10240x128xf32, #tpu.memory_space<hbm>>
      tpu.enqueue_indirect_dma source(%dma_start3A_47 : memref<10240x128xf32, #tpu.memory_space<hbm>>) target(%arg8 : memref<128x128xf32, #tpu.memory_space<vmem>>) offsets(%dma_start3A_44 : memref<128xi32, #tpu.memory_space<vmem>>) semaphore(%arg11 : memref<!tpu.dma_semaphore, #tpu.memory_space<semaphore_mem>>)
      %scan3A_48 = arith.constant 0 : i32
      %scan3A_49 = arith.constant 20 : i32
      %scan3A_50 = arith.addi %scan3A_48, %scan3A_49 : i32
      %scan3A_51 = arith.constant 1 : i32
      scf.for %scan3A_53 = %scan3A_48 to %scan3A_50 step %scan3A_51  : i32 {
        %mul3A_54 = arith.constant 2 : i32
        %mul3A_55 = arith.muli %scan3A_53, %mul3A_54 : i32
        %add3A_56 = arith.constant 0 : i32
        %add3A_57 = arith.addi %add3A_56, %mul3A_55 : i32
        %dma_wait3A = arith.constant 0 : i32
        %dma_wait3A_58 = arith.constant 0 : i32
        %dma_wait3A_59 = tpu.memref_slice %arg2[%dma_wait3A, %dma_wait3A_58] : memref<10240x128xf32, #tpu.memory_space<hbm>> -> memref<128x128xf32, #tpu.memory_space<hbm>>
        %dma_wait3A_60 = arith.constant 0 : i32
        %dma_wait3A_61 = arith.constant 0 : i32
        %dma_wait3A_62 = tpu.memref_slice %arg2[%dma_wait3A_60, %dma_wait3A_61] : memref<10240x128xf32, #tpu.memory_space<hbm>> -> memref<128x128xf32, #tpu.memory_space<hbm>>
        tpu.wait_dma2 semaphore(%arg11 : memref<!tpu.dma_semaphore, #tpu.memory_space<semaphore_mem>>) src(%dma_wait3A_62 : memref<128x128xf32, #tpu.memory_space<hbm>>) dst(%arg8 : memref<128x128xf32, #tpu.memory_space<vmem>>)
        %add3A_63 = arith.constant 1 : i32
        %add3A_64 = arith.addi %add3A_57, %add3A_63 : i32
        %dma_start3A_65 = arith.constant 0 : i32
        %dma_start3A_66 = tpu.memref_slice %arg6[%add3A_64, %dma_start3A_65] : memref<40x128xi32, #tpu.memory_space<vmem>> -> memref<1x128xi32, #tpu.memory_space<vmem>>
        %dma_start3A_67 = tpu.memref_squeeze %dma_start3A_66 : memref<1x128xi32, #tpu.memory_space<vmem>> -> memref<128xi32, #tpu.memory_space<vmem>>
        %dma_start3A_68 = arith.constant 0 : i32
        %dma_start3A_69 = arith.constant 0 : i32
        %dma_start3A_70 = tpu.memref_slice %arg2[%dma_start3A_68, %dma_start3A_69] : memref<10240x128xf32, #tpu.memory_space<hbm>> -> memref<10240x128xf32, #tpu.memory_space<hbm>>
        tpu.enqueue_indirect_dma source(%dma_start3A_70 : memref<10240x128xf32, #tpu.memory_space<hbm>>) target(%arg9 : memref<128x128xf32, #tpu.memory_space<vmem>>) offsets(%dma_start3A_67 : memref<128xi32, #tpu.memory_space<vmem>>) semaphore(%arg12 : memref<!tpu.dma_semaphore, #tpu.memory_space<semaphore_mem>>)
        "tpu.region"() ({
          %run_scoped3A = tpu.sem_alloc : memref<!tpu.dma_semaphore, #tpu.memory_space<semaphore_mem>>
          %dma_start3A_83 = arith.constant 0 : i32
          %dma_start3A_84 = tpu.memref_slice %arg7[%add3A_57, %dma_start3A_83] : memref<40x128xi32, #tpu.memory_space<vmem>> -> memref<1x128xi32, #tpu.memory_space<vmem>>
          %dma_start3A_85 = tpu.memref_squeeze %dma_start3A_84 : memref<1x128xi32, #tpu.memory_space<vmem>> -> memref<128xi32, #tpu.memory_space<vmem>>
          %dma_start3A_86 = arith.constant 0 : i32
          %dma_start3A_87 = arith.constant 0 : i32
          %dma_start3A_88 = tpu.memref_slice %arg10[%dma_start3A_86, %dma_start3A_87] : memref<10240x128xf32, #tpu.memory_space<vmem_shared>> -> memref<10240x128xf32, #tpu.memory_space<vmem_shared>>
          tpu.enqueue_indirect_dma source(%arg8 : memref<128x128xf32, #tpu.memory_space<vmem>>) target(%dma_start3A_88 : memref<10240x128xf32, #tpu.memory_space<vmem_shared>>) offsets(%dma_start3A_85 : memref<128xi32, #tpu.memory_space<vmem>>) semaphore(%run_scoped3A : memref<!tpu.dma_semaphore, #tpu.memory_space<semaphore_mem>>) {add = true}
          %dma_wait3A_89 = arith.constant 0 : i32
          %dma_wait3A_90 = tpu.memref_slice %arg7[%add3A_57, %dma_wait3A_89] : memref<40x128xi32, #tpu.memory_space<vmem>> -> memref<1x128xi32, #tpu.memory_space<vmem>>
          %dma_wait3A_91 = tpu.memref_squeeze %dma_wait3A_90 : memref<1x128xi32, #tpu.memory_space<vmem>> -> memref<128xi32, #tpu.memory_space<vmem>>
          %dma_wait3A_92 = arith.constant 0 : i32
          %dma_wait3A_93 = arith.constant 0 : i32
          %dma_wait3A_94 = tpu.memref_slice %arg10[%dma_wait3A_92, %dma_wait3A_93] : memref<10240x128xf32, #tpu.memory_space<vmem_shared>> -> memref<10240x128xf32, #tpu.memory_space<vmem_shared>>
          tpu.wait_indirect_dma semaphore(%run_scoped3A : memref<!tpu.dma_semaphore, #tpu.memory_space<semaphore_mem>>) src(%arg8 : memref<128x128xf32, #tpu.memory_space<vmem>>) dst(%dma_wait3A_94 : memref<10240x128xf32, #tpu.memory_space<vmem_shared>>)
          tpu.yield
        }) : () -> ()
        %dma_wait3A_71 = arith.constant 0 : i32
        %dma_wait3A_72 = arith.constant 0 : i32
        %dma_wait3A_73 = tpu.memref_slice %arg2[%dma_wait3A_71, %dma_wait3A_72] : memref<10240x128xf32, #tpu.memory_space<hbm>> -> memref<128x128xf32, #tpu.memory_space<hbm>>
        %dma_wait3A_74 = arith.constant 0 : i32
        %dma_wait3A_75 = arith.constant 0 : i32
        %dma_wait3A_76 = tpu.memref_slice %arg2[%dma_wait3A_74, %dma_wait3A_75] : memref<10240x128xf32, #tpu.memory_space<hbm>> -> memref<128x128xf32, #tpu.memory_space<hbm>>
        tpu.wait_dma2 semaphore(%arg12 : memref<!tpu.dma_semaphore, #tpu.memory_space<semaphore_mem>>) src(%dma_wait3A_76 : memref<128x128xf32, #tpu.memory_space<hbm>>) dst(%arg9 : memref<128x128xf32, #tpu.memory_space<vmem>>)
        %add3A_77 = arith.constant 2 : i32
        %add3A_78 = arith.addi %add3A_57, %add3A_77 : i32
        %lt3A = arith.constant 40 : i32
        %lt3A_79 = arith.cmpi slt, %add3A_78, %lt3A : i32
        %convert_element_type3A = arith.extui %lt3A_79 : i1 to i32
        %cond3A = arith.constant 0 : i32
        %cond3A_80 = arith.cmpi ne, %convert_element_type3A, %cond3A : i32
        scf.if %cond3A_80 {
          %add3A_83 = arith.constant 2 : i32
          %add3A_84 = arith.addi %add3A_57, %add3A_83 : i32
          %dma_start3A_85 = arith.constant 0 : i32
          %dma_start3A_86 = tpu.memref_slice %arg6[%add3A_84, %dma_start3A_85] : memref<40x128xi32, #tpu.memory_space<vmem>> -> memref<1x128xi32, #tpu.memory_space<vmem>>
          %dma_start3A_87 = tpu.memref_squeeze %dma_start3A_86 : memref<1x128xi32, #tpu.memory_space<vmem>> -> memref<128xi32, #tpu.memory_space<vmem>>
          %dma_start3A_88 = arith.constant 0 : i32
          %dma_start3A_89 = arith.constant 0 : i32
          %dma_start3A_90 = tpu.memref_slice %arg2[%dma_start3A_88, %dma_start3A_89] : memref<10240x128xf32, #tpu.memory_space<hbm>> -> memref<10240x128xf32, #tpu.memory_space<hbm>>
          tpu.enqueue_indirect_dma source(%dma_start3A_90 : memref<10240x128xf32, #tpu.memory_space<hbm>>) target(%arg8 : memref<128x128xf32, #tpu.memory_space<vmem>>) offsets(%dma_start3A_87 : memref<128xi32, #tpu.memory_space<vmem>>) semaphore(%arg11 : memref<!tpu.dma_semaphore, #tpu.memory_space<semaphore_mem>>)
        } else {
        }
        %add3A_81 = arith.constant 1 : i32
        %add3A_82 = arith.addi %add3A_57, %add3A_81 : i32
        "tpu.region"() ({
          %run_scoped3A = tpu.sem_alloc : memref<!tpu.dma_semaphore, #tpu.memory_space<semaphore_mem>>
          %dma_start3A_83 = arith.constant 0 : i32
          %dma_start3A_84 = tpu.memref_slice %arg7[%add3A_82, %dma_start3A_83] : memref<40x128xi32, #tpu.memory_space<vmem>> -> memref<1x128xi32, #tpu.memory_space<vmem>>
          %dma_start3A_85 = tpu.memref_squeeze %dma_start3A_84 : memref<1x128xi32, #tpu.memory_space<vmem>> -> memref<128xi32, #tpu.memory_space<vmem>>
          %dma_start3A_86 = arith.constant 0 : i32
          %dma_start3A_87 = arith.constant 0 : i32
          %dma_start3A_88 = tpu.memref_slice %arg10[%dma_start3A_86, %dma_start3A_87] : memref<10240x128xf32, #tpu.memory_space<vmem_shared>> -> memref<10240x128xf32, #tpu.memory_space<vmem_shared>>
          tpu.enqueue_indirect_dma source(%arg9 : memref<128x128xf32, #tpu.memory_space<vmem>>) target(%dma_start3A_88 : memref<10240x128xf32, #tpu.memory_space<vmem_shared>>) offsets(%dma_start3A_85 : memref<128xi32, #tpu.memory_space<vmem>>) semaphore(%run_scoped3A : memref<!tpu.dma_semaphore, #tpu.memory_space<semaphore_mem>>) {add = true}
          %dma_wait3A_89 = arith.constant 0 : i32
          %dma_wait3A_90 = tpu.memref_slice %arg7[%add3A_82, %dma_wait3A_89] : memref<40x128xi32, #tpu.memory_space<vmem>> -> memref<1x128xi32, #tpu.memory_space<vmem>>
          %dma_wait3A_91 = tpu.memref_squeeze %dma_wait3A_90 : memref<1x128xi32, #tpu.memory_space<vmem>> -> memref<128xi32, #tpu.memory_space<vmem>>
          %dma_wait3A_92 = arith.constant 0 : i32
          %dma_wait3A_93 = arith.constant 0 : i32
          %dma_wait3A_94 = tpu.memref_slice %arg10[%dma_wait3A_92, %dma_wait3A_93] : memref<10240x128xf32, #tpu.memory_space<vmem_shared>> -> memref<10240x128xf32, #tpu.memory_space<vmem_shared>>
          tpu.wait_indirect_dma semaphore(%run_scoped3A : memref<!tpu.dma_semaphore, #tpu.memory_space<semaphore_mem>>) src(%arg9 : memref<128x128xf32, #tpu.memory_space<vmem>>) dst(%dma_wait3A_94 : memref<10240x128xf32, #tpu.memory_space<vmem_shared>>)
          tpu.yield
        }) : () -> ()
      }
      %scan3A_52 = arith.constant 20 : i32
    }
    %scan3A_22 = arith.constant 2 : i32
    %barrier3A_23 = arith.constant 0 : index
    tpu.barrier barrier_id(%barrier3A_23)
    %mul3A_24 = arith.constant 640 : i32
    %mul3A_25 = arith.muli %arg1, %mul3A_24 : i32
    %mul3A_26 = arith.constant 10240 : i32
    %mul3A_27 = arith.muli %arg0, %mul3A_26 : i32
    %mul3A_28 = arith.constant 640 : i32
    %mul3A_29 = arith.muli %arg1, %mul3A_28 : i32
    %add3A_30 = arith.addi %mul3A_27, %mul3A_29 : i32
    "tpu.region"() ({
      %run_scoped3A = tpu.sem_alloc : memref<!tpu.dma_semaphore, #tpu.memory_space<semaphore_mem>>
      %dma_start3A = arith.constant 0 : i32
      %dma_start3A_31 = tpu.memref_slice %arg5[%add3A_30, %dma_start3A] : memref<20480x128xf32, #tpu.memory_space<hbm>> -> memref<640x128xf32, #tpu.memory_space<hbm>>
      %dma_start3A_32 = arith.constant 0 : i32
      %dma_start3A_33 = tpu.memref_slice %arg10[%mul3A_25, %dma_start3A_32] : memref<10240x128xf32, #tpu.memory_space<vmem_shared>> -> memref<640x128xf32, #tpu.memory_space<vmem_shared>>
      tpu.enqueue_dma source(%dma_start3A_33 : memref<640x128xf32, #tpu.memory_space<vmem_shared>>) target(%dma_start3A_31 : memref<640x128xf32, #tpu.memory_space<hbm>>) target_semaphore(%run_scoped3A : memref<!tpu.dma_semaphore, #tpu.memory_space<semaphore_mem>>)
      %dma_wait3A = arith.constant 0 : i32
      %dma_wait3A_34 = tpu.memref_slice %arg5[%add3A_30, %dma_wait3A] : memref<20480x128xf32, #tpu.memory_space<hbm>> -> memref<640x128xf32, #tpu.memory_space<hbm>>
      %dma_wait3A_35 = arith.constant 0 : i32
      %dma_wait3A_36 = tpu.memref_slice %arg10[%mul3A_25, %dma_wait3A_35] : memref<10240x128xf32, #tpu.memory_space<vmem_shared>> -> memref<640x128xf32, #tpu.memory_space<vmem_shared>>
      tpu.wait_dma2 semaphore(%run_scoped3A : memref<!tpu.dma_semaphore, #tpu.memory_space<semaphore_mem>>) src(%dma_wait3A_36 : memref<640x128xf32, #tpu.memory_space<vmem_shared>>) dst(%dma_wait3A_34 : memref<640x128xf32, #tpu.memory_space<hbm>>)
      tpu.yield
    }) : () -> ()
    return
  }
}

#map = affine_map<(d0, d1) -> (0, 0)>
module attributes {stable_mosaic.version = 14 : i64} {
  func.func @k(%arg0: i32, %arg1: i32, %arg2: memref<20480x128xf32, #tpu.memory_space<hbm>>, %arg3: memref<5120x128xi32, #tpu.memory_space<hbm>>, %arg4: memref<2560x128xi32, #tpu.memory_space<hbm>>, %arg5: memref<20480x128xf32, #tpu.memory_space<hbm>>, %arg6: memref<40x128xi32, #tpu.memory_space<vmem>>, %arg7: memref<40x128xi32, #tpu.memory_space<vmem>>, %arg8: memref<128x128xf32, #tpu.memory_space<vmem>>, %arg9: memref<128x128xf32, #tpu.memory_space<vmem>>, %arg10: memref<10240x128xf32, #tpu.memory_space<vmem_shared>>, %arg11: memref<!tpu.dma_semaphore, #tpu.memory_space<semaphore_mem>>, %arg12: memref<!tpu.dma_semaphore, #tpu.memory_space<semaphore_mem>>) attributes {dimension_semantics = [#tpu.dimension_semantics<core_parallel>, #tpu.dimension_semantics<subcore_parallel>], iteration_bounds = array<i64: 2, 16>, scalar_prefetch = 0 : i64, scratch_operands = 7 : i64, tpu.core_type = #tpu.core_type<sc_vector_subcore>, window_params = [{transform_indices = #map}, {transform_indices = #map}, {transform_indices = #map}, {transform_indices = #map}]} {
    %broadcast_in_dim3A = arith.constant 0.000000e+00 : f32
    %broadcast_in_dim3A_0 = vector.broadcast %broadcast_in_dim3A : f32 to vector<16xf32>
    %scan3A = arith.constant 0 : i32
    %scan3A_1 = arith.constant 128 : i32
    %scan3A_2 = arith.addi %scan3A, %scan3A_1 : i32
    %scan3A_3 = arith.constant 1 : i32
    scf.for %scan3A_28 = %scan3A to %scan3A_2 step %scan3A_3  : i32 {
      %mul3A_29 = arith.constant 1 : i32
      %mul3A_30 = arith.muli %scan3A_28, %mul3A_29 : i32
      %add3A_31 = arith.constant 0 : i32
      %add3A_32 = arith.addi %add3A_31, %mul3A_30 : i32
      %swap3A = arith.index_cast %add3A_32 : i32 to index
      %swap3A_33 = arith.constant 0 : index
      %swap3A_34 = tpu.vector_load %arg8[%swap3A, %swap3A_33] {strides = array<i32>} : memref<128x128xf32, #tpu.memory_space<vmem>>, vector<1x16xf32>,
      %swap3A_35 = vector.shape_cast %swap3A_34 : vector<1x16xf32> to vector<16xf32>
      %swap3A_36 = vector.shape_cast %broadcast_in_dim3A_0 : vector<16xf32> to vector<1x16xf32>
      tpu.vector_store %arg8[%swap3A, %swap3A_33], %swap3A_36 {strides = array<i32>} : memref<128x128xf32, #tpu.memory_space<vmem>>, vector<1x16xf32>,
      %swap3A_37 = arith.index_cast %add3A_32 : i32 to index
      %swap3A_38 = arith.constant 16 : index
      %swap3A_39 = tpu.vector_load %arg8[%swap3A_37, %swap3A_38] {strides = array<i32>} : memref<128x128xf32, #tpu.memory_space<vmem>>, vector<1x16xf32>,
      %swap3A_40 = vector.shape_cast %swap3A_39 : vector<1x16xf32> to vector<16xf32>
      %swap3A_41 = vector.shape_cast %broadcast_in_dim3A_0 : vector<16xf32> to vector<1x16xf32>
      tpu.vector_store %arg8[%swap3A_37, %swap3A_38], %swap3A_41 {strides = array<i32>} : memref<128x128xf32, #tpu.memory_space<vmem>>, vector<1x16xf32>,
      %swap3A_42 = arith.index_cast %add3A_32 : i32 to index
      %swap3A_43 = arith.constant 32 : index
      %swap3A_44 = tpu.vector_load %arg8[%swap3A_42, %swap3A_43] {strides = array<i32>} : memref<128x128xf32, #tpu.memory_space<vmem>>, vector<1x16xf32>,
      %swap3A_45 = vector.shape_cast %swap3A_44 : vector<1x16xf32> to vector<16xf32>
      %swap3A_46 = vector.shape_cast %broadcast_in_dim3A_0 : vector<16xf32> to vector<1x16xf32>
      tpu.vector_store %arg8[%swap3A_42, %swap3A_43], %swap3A_46 {strides = array<i32>} : memref<128x128xf32, #tpu.memory_space<vmem>>, vector<1x16xf32>,
      %swap3A_47 = arith.index_cast %add3A_32 : i32 to index
      %swap3A_48 = arith.constant 48 : index
      %swap3A_49 = tpu.vector_load %arg8[%swap3A_47, %swap3A_48] {strides = array<i32>} : memref<128x128xf32, #tpu.memory_space<vmem>>, vector<1x16xf32>,
      %swap3A_50 = vector.shape_cast %swap3A_49 : vector<1x16xf32> to vector<16xf32>
      %swap3A_51 = vector.shape_cast %broadcast_in_dim3A_0 : vector<16xf32> to vector<1x16xf32>
      tpu.vector_store %arg8[%swap3A_47, %swap3A_48], %swap3A_51 {strides = array<i32>} : memref<128x128xf32, #tpu.memory_space<vmem>>, vector<1x16xf32>,
      %swap3A_52 = arith.index_cast %add3A_32 : i32 to index
      %swap3A_53 = arith.constant 64 : index
      %swap3A_54 = tpu.vector_load %arg8[%swap3A_52, %swap3A_53] {strides = array<i32>} : memref<128x128xf32, #tpu.memory_space<vmem>>, vector<1x16xf32>,
      %swap3A_55 = vector.shape_cast %swap3A_54 : vector<1x16xf32> to vector<16xf32>
      %swap3A_56 = vector.shape_cast %broadcast_in_dim3A_0 : vector<16xf32> to vector<1x16xf32>
      tpu.vector_store %arg8[%swap3A_52, %swap3A_53], %swap3A_56 {strides = array<i32>} : memref<128x128xf32, #tpu.memory_space<vmem>>, vector<1x16xf32>,
      %swap3A_57 = arith.index_cast %add3A_32 : i32 to index
      %swap3A_58 = arith.constant 80 : index
      %swap3A_59 = tpu.vector_load %arg8[%swap3A_57, %swap3A_58] {strides = array<i32>} : memref<128x128xf32, #tpu.memory_space<vmem>>, vector<1x16xf32>,
      %swap3A_60 = vector.shape_cast %swap3A_59 : vector<1x16xf32> to vector<16xf32>
      %swap3A_61 = vector.shape_cast %broadcast_in_dim3A_0 : vector<16xf32> to vector<1x16xf32>
      tpu.vector_store %arg8[%swap3A_57, %swap3A_58], %swap3A_61 {strides = array<i32>} : memref<128x128xf32, #tpu.memory_space<vmem>>, vector<1x16xf32>,
      %swap3A_62 = arith.index_cast %add3A_32 : i32 to index
      %swap3A_63 = arith.constant 96 : index
      %swap3A_64 = tpu.vector_load %arg8[%swap3A_62, %swap3A_63] {strides = array<i32>} : memref<128x128xf32, #tpu.memory_space<vmem>>, vector<1x16xf32>,
      %swap3A_65 = vector.shape_cast %swap3A_64 : vector<1x16xf32> to vector<16xf32>
      %swap3A_66 = vector.shape_cast %broadcast_in_dim3A_0 : vector<16xf32> to vector<1x16xf32>
      tpu.vector_store %arg8[%swap3A_62, %swap3A_63], %swap3A_66 {strides = array<i32>} : memref<128x128xf32, #tpu.memory_space<vmem>>, vector<1x16xf32>,
      %swap3A_67 = arith.index_cast %add3A_32 : i32 to index
      %swap3A_68 = arith.constant 112 : index
      %swap3A_69 = tpu.vector_load %arg8[%swap3A_67, %swap3A_68] {strides = array<i32>} : memref<128x128xf32, #tpu.memory_space<vmem>>, vector<1x16xf32>,
      %swap3A_70 = vector.shape_cast %swap3A_69 : vector<1x16xf32> to vector<16xf32>
      %swap3A_71 = vector.shape_cast %broadcast_in_dim3A_0 : vector<16xf32> to vector<1x16xf32>
      tpu.vector_store %arg8[%swap3A_67, %swap3A_68], %swap3A_71 {strides = array<i32>} : memref<128x128xf32, #tpu.memory_space<vmem>>, vector<1x16xf32>,
    }
    %scan3A_4 = arith.constant 128 : i32
    %scan3A_5 = arith.constant 0 : i32
    %scan3A_6 = arith.constant 5 : i32
    %scan3A_7 = arith.addi %scan3A_5, %scan3A_6 : i32
    %scan3A_8 = arith.constant 1 : i32
    scf.for %scan3A_28 = %scan3A_5 to %scan3A_7 step %scan3A_8  : i32 {
      %mul3A_29 = arith.constant 1 : i32
      %mul3A_30 = arith.muli %scan3A_28, %mul3A_29 : i32
      %add3A_31 = arith.constant 0 : i32
      %add3A_32 = arith.addi %add3A_31, %mul3A_30 : i32
      %mul3A_33 = arith.constant 640 : i32
      %mul3A_34 = arith.muli %arg1, %mul3A_33 : i32
      %mul3A_35 = arith.constant 128 : i32
      %mul3A_36 = arith.muli %add3A_32, %mul3A_35 : i32
      %add3A_37 = arith.addi %mul3A_34, %mul3A_36 : i32
      "tpu.region"() ({
        %run_scoped3A = tpu.sem_alloc : memref<!tpu.dma_semaphore, #tpu.memory_space<semaphore_mem>>
        %dma_start3A = arith.constant 0 : i32
        %dma_start3A_38 = tpu.memref_slice %arg10[%add3A_37, %dma_start3A] : memref<10240x128xf32, #tpu.memory_space<vmem_shared>> -> memref<128x128xf32, #tpu.memory_space<vmem_shared>>
        %dma_start3A_39 = arith.constant 0 : i32
        %dma_start3A_40 = tpu.memref_slice %arg10[%add3A_37, %dma_start3A_39] : memref<10240x128xf32, #tpu.memory_space<vmem_shared>> -> memref<128x128xf32, #tpu.memory_space<vmem_shared>>
        tpu.enqueue_dma source(%arg8 : memref<128x128xf32, #tpu.memory_space<vmem>>) target(%dma_start3A_40 : memref<128x128xf32, #tpu.memory_space<vmem_shared>>) target_semaphore(%run_scoped3A : memref<!tpu.dma_semaphore, #tpu.memory_space<semaphore_mem>>)
        %dma_wait3A = arith.constant 0 : i32
        %dma_wait3A_41 = tpu.memref_slice %arg10[%add3A_37, %dma_wait3A] : memref<10240x128xf32, #tpu.memory_space<vmem_shared>> -> memref<128x128xf32, #tpu.memory_space<vmem_shared>>
        %dma_wait3A_42 = arith.constant 0 : i32
        %dma_wait3A_43 = tpu.memref_slice %arg10[%add3A_37, %dma_wait3A_42] : memref<10240x128xf32, #tpu.memory_space<vmem_shared>> -> memref<128x128xf32, #tpu.memory_space<vmem_shared>>
        tpu.wait_dma2 semaphore(%run_scoped3A : memref<!tpu.dma_semaphore, #tpu.memory_space<semaphore_mem>>) src(%arg8 : memref<128x128xf32, #tpu.memory_space<vmem>>) dst(%dma_wait3A_43 : memref<128x128xf32, #tpu.memory_space<vmem_shared>>)
        tpu.yield
      }) : () -> ()
    }
    %scan3A_9 = arith.constant 5 : i32
    %barrier3A = arith.constant 0 : index
    tpu.barrier barrier_id(%barrier3A)
    %mul3A = arith.constant 2560 : i32
    %mul3A_10 = arith.muli %arg0, %mul3A : i32
    %mul3A_11 = arith.constant 160 : i32
    %mul3A_12 = arith.muli %arg1, %mul3A_11 : i32
    %add3A = arith.addi %mul3A_10, %mul3A_12 : i32
    %mul3A_13 = arith.constant 160 : i32
    %mul3A_14 = arith.muli %arg1, %mul3A_13 : i32
    %scan3A_15 = arith.constant 0 : i32
    %scan3A_16 = arith.constant 4 : i32
    %scan3A_17 = arith.addi %scan3A_15, %scan3A_16 : i32
    %scan3A_18 = arith.constant 1 : i32
    scf.for %scan3A_28 = %scan3A_15 to %scan3A_17 step %scan3A_18  : i32 {
      %mul3A_29 = arith.constant 1 : i32
      %mul3A_30 = arith.muli %scan3A_28, %mul3A_29 : i32
      %add3A_31 = arith.constant 0 : i32
      %add3A_32 = arith.addi %add3A_31, %mul3A_30 : i32
      %mul3A_33 = arith.constant 40 : i32
      %mul3A_34 = arith.muli %add3A_32, %mul3A_33 : i32
      %add3A_35 = arith.addi %add3A, %mul3A_34 : i32
      "tpu.region"() ({
        %run_scoped3A = tpu.sem_alloc : memref<!tpu.dma_semaphore, #tpu.memory_space<semaphore_mem>>
        %dma_start3A_50 = arith.constant 0 : i32
        %dma_start3A_51 = tpu.memref_slice %arg3[%add3A_35, %dma_start3A_50] : memref<5120x128xi32, #tpu.memory_space<hbm>> -> memref<40x128xi32, #tpu.memory_space<hbm>>
        %dma_start3A_52 = arith.constant 0 : i32
        %dma_start3A_53 = tpu.memref_slice %arg3[%add3A_35, %dma_start3A_52] : memref<5120x128xi32, #tpu.memory_space<hbm>> -> memref<40x128xi32, #tpu.memory_space<hbm>>
        tpu.enqueue_dma source(%dma_start3A_53 : memref<40x128xi32, #tpu.memory_space<hbm>>) target(%arg6 : memref<40x128xi32, #tpu.memory_space<vmem>>) target_semaphore(%run_scoped3A : memref<!tpu.dma_semaphore, #tpu.memory_space<semaphore_mem>>)
        %dma_wait3A = arith.constant 0 : i32
        %dma_wait3A_54 = tpu.memref_slice %arg3[%add3A_35, %dma_wait3A] : memref<5120x128xi32, #tpu.memory_space<hbm>> -> memref<40x128xi32, #tpu.memory_space<hbm>>
        %dma_wait3A_55 = arith.constant 0 : i32
        %dma_wait3A_56 = tpu.memref_slice %arg3[%add3A_35, %dma_wait3A_55] : memref<5120x128xi32, #tpu.memory_space<hbm>> -> memref<40x128xi32, #tpu.memory_space<hbm>>
        tpu.wait_dma2 semaphore(%run_scoped3A : memref<!tpu.dma_semaphore, #tpu.memory_space<semaphore_mem>>) src(%dma_wait3A_56 : memref<40x128xi32, #tpu.memory_space<hbm>>) dst(%arg6 : memref<40x128xi32, #tpu.memory_space<vmem>>)
        tpu.yield
      }) : () -> ()
      %mul3A_36 = arith.constant 40 : i32
      %mul3A_37 = arith.muli %add3A_32, %mul3A_36 : i32
      %add3A_38 = arith.addi %mul3A_14, %mul3A_37 : i32
      "tpu.region"() ({
        %run_scoped3A = tpu.sem_alloc : memref<!tpu.dma_semaphore, #tpu.memory_space<semaphore_mem>>
        %dma_start3A_50 = arith.constant 0 : i32
        %dma_start3A_51 = tpu.memref_slice %arg4[%add3A_38, %dma_start3A_50] : memref<2560x128xi32, #tpu.memory_space<hbm>> -> memref<40x128xi32, #tpu.memory_space<hbm>>
        %dma_start3A_52 = arith.constant 0 : i32
        %dma_start3A_53 = tpu.memref_slice %arg4[%add3A_38, %dma_start3A_52] : memref<2560x128xi32, #tpu.memory_space<hbm>> -> memref<40x128xi32, #tpu.memory_space<hbm>>
        tpu.enqueue_dma source(%dma_start3A_53 : memref<40x128xi32, #tpu.memory_space<hbm>>) target(%arg7 : memref<40x128xi32, #tpu.memory_space<vmem>>) target_semaphore(%run_scoped3A : memref<!tpu.dma_semaphore, #tpu.memory_space<semaphore_mem>>)
        %dma_wait3A = arith.constant 0 : i32
        %dma_wait3A_54 = tpu.memref_slice %arg4[%add3A_38, %dma_wait3A] : memref<2560x128xi32, #tpu.memory_space<hbm>> -> memref<40x128xi32, #tpu.memory_space<hbm>>
        %dma_wait3A_55 = arith.constant 0 : i32
        %dma_wait3A_56 = tpu.memref_slice %arg4[%add3A_38, %dma_wait3A_55] : memref<2560x128xi32, #tpu.memory_space<hbm>> -> memref<40x128xi32, #tpu.memory_space<hbm>>
        tpu.wait_dma2 semaphore(%run_scoped3A : memref<!tpu.dma_semaphore, #tpu.memory_space<semaphore_mem>>) src(%dma_wait3A_56 : memref<40x128xi32, #tpu.memory_space<hbm>>) dst(%arg7 : memref<40x128xi32, #tpu.memory_space<vmem>>)
        tpu.yield
      }) : () -> ()
      %dma_start3A = arith.constant 0 : i32
      %dma_start3A_39 = arith.constant 0 : i32
      %dma_start3A_40 = tpu.memref_slice %arg6[%dma_start3A, %dma_start3A_39] : memref<40x128xi32, #tpu.memory_space<vmem>> -> memref<1x128xi32, #tpu.memory_space<vmem>>
      %dma_start3A_41 = tpu.memref_squeeze %dma_start3A_40 : memref<1x128xi32, #tpu.memory_space<vmem>> -> memref<128xi32, #tpu.memory_space<vmem>>
      %dma_start3A_42 = arith.constant 0 : i32
      %dma_start3A_43 = arith.constant 0 : i32
      %dma_start3A_44 = tpu.memref_slice %arg2[%dma_start3A_42, %dma_start3A_43] : memref<20480x128xf32, #tpu.memory_space<hbm>> -> memref<20480x128xf32, #tpu.memory_space<hbm>>
      tpu.enqueue_indirect_dma source(%dma_start3A_44 : memref<20480x128xf32, #tpu.memory_space<hbm>>) target(%arg8 : memref<128x128xf32, #tpu.memory_space<vmem>>) offsets(%dma_start3A_41 : memref<128xi32, #tpu.memory_space<vmem>>) semaphore(%arg11 : memref<!tpu.dma_semaphore, #tpu.memory_space<semaphore_mem>>)
      %scan3A_45 = arith.constant 0 : i32
      %scan3A_46 = arith.constant 20 : i32
      %scan3A_47 = arith.addi %scan3A_45, %scan3A_46 : i32
      %scan3A_48 = arith.constant 1 : i32
      scf.for %scan3A_50 = %scan3A_45 to %scan3A_47 step %scan3A_48  : i32 {
        %mul3A_51 = arith.constant 2 : i32
        %mul3A_52 = arith.muli %scan3A_50, %mul3A_51 : i32
        %add3A_53 = arith.constant 0 : i32
        %add3A_54 = arith.addi %add3A_53, %mul3A_52 : i32
        %dma_wait3A = arith.constant 0 : i32
        %dma_wait3A_55 = arith.constant 0 : i32
        %dma_wait3A_56 = tpu.memref_slice %arg2[%dma_wait3A, %dma_wait3A_55] : memref<20480x128xf32, #tpu.memory_space<hbm>> -> memref<128x128xf32, #tpu.memory_space<hbm>>
        %dma_wait3A_57 = arith.constant 0 : i32
        %dma_wait3A_58 = arith.constant 0 : i32
        %dma_wait3A_59 = tpu.memref_slice %arg2[%dma_wait3A_57, %dma_wait3A_58] : memref<20480x128xf32, #tpu.memory_space<hbm>> -> memref<128x128xf32, #tpu.memory_space<hbm>>
        tpu.wait_dma2 semaphore(%arg11 : memref<!tpu.dma_semaphore, #tpu.memory_space<semaphore_mem>>) src(%dma_wait3A_59 : memref<128x128xf32, #tpu.memory_space<hbm>>) dst(%arg8 : memref<128x128xf32, #tpu.memory_space<vmem>>)
        %add3A_60 = arith.constant 1 : i32
        %add3A_61 = arith.addi %add3A_54, %add3A_60 : i32
        %dma_start3A_62 = arith.constant 0 : i32
        %dma_start3A_63 = tpu.memref_slice %arg6[%add3A_61, %dma_start3A_62] : memref<40x128xi32, #tpu.memory_space<vmem>> -> memref<1x128xi32, #tpu.memory_space<vmem>>
        %dma_start3A_64 = tpu.memref_squeeze %dma_start3A_63 : memref<1x128xi32, #tpu.memory_space<vmem>> -> memref<128xi32, #tpu.memory_space<vmem>>
        %dma_start3A_65 = arith.constant 0 : i32
        %dma_start3A_66 = arith.constant 0 : i32
        %dma_start3A_67 = tpu.memref_slice %arg2[%dma_start3A_65, %dma_start3A_66] : memref<20480x128xf32, #tpu.memory_space<hbm>> -> memref<20480x128xf32, #tpu.memory_space<hbm>>
        tpu.enqueue_indirect_dma source(%dma_start3A_67 : memref<20480x128xf32, #tpu.memory_space<hbm>>) target(%arg9 : memref<128x128xf32, #tpu.memory_space<vmem>>) offsets(%dma_start3A_64 : memref<128xi32, #tpu.memory_space<vmem>>) semaphore(%arg12 : memref<!tpu.dma_semaphore, #tpu.memory_space<semaphore_mem>>)
        "tpu.region"() ({
          %run_scoped3A = tpu.sem_alloc : memref<!tpu.dma_semaphore, #tpu.memory_space<semaphore_mem>>
          %dma_start3A_80 = arith.constant 0 : i32
          %dma_start3A_81 = tpu.memref_slice %arg7[%add3A_54, %dma_start3A_80] : memref<40x128xi32, #tpu.memory_space<vmem>> -> memref<1x128xi32, #tpu.memory_space<vmem>>
          %dma_start3A_82 = tpu.memref_squeeze %dma_start3A_81 : memref<1x128xi32, #tpu.memory_space<vmem>> -> memref<128xi32, #tpu.memory_space<vmem>>
          %dma_start3A_83 = arith.constant 0 : i32
          %dma_start3A_84 = arith.constant 0 : i32
          %dma_start3A_85 = tpu.memref_slice %arg10[%dma_start3A_83, %dma_start3A_84] : memref<10240x128xf32, #tpu.memory_space<vmem_shared>> -> memref<10240x128xf32, #tpu.memory_space<vmem_shared>>
          tpu.enqueue_indirect_dma source(%arg8 : memref<128x128xf32, #tpu.memory_space<vmem>>) target(%dma_start3A_85 : memref<10240x128xf32, #tpu.memory_space<vmem_shared>>) offsets(%dma_start3A_82 : memref<128xi32, #tpu.memory_space<vmem>>) semaphore(%run_scoped3A : memref<!tpu.dma_semaphore, #tpu.memory_space<semaphore_mem>>) {add = true}
          %dma_wait3A_86 = arith.constant 0 : i32
          %dma_wait3A_87 = tpu.memref_slice %arg7[%add3A_54, %dma_wait3A_86] : memref<40x128xi32, #tpu.memory_space<vmem>> -> memref<1x128xi32, #tpu.memory_space<vmem>>
          %dma_wait3A_88 = tpu.memref_squeeze %dma_wait3A_87 : memref<1x128xi32, #tpu.memory_space<vmem>> -> memref<128xi32, #tpu.memory_space<vmem>>
          %dma_wait3A_89 = arith.constant 0 : i32
          %dma_wait3A_90 = arith.constant 0 : i32
          %dma_wait3A_91 = tpu.memref_slice %arg10[%dma_wait3A_89, %dma_wait3A_90] : memref<10240x128xf32, #tpu.memory_space<vmem_shared>> -> memref<10240x128xf32, #tpu.memory_space<vmem_shared>>
          tpu.wait_indirect_dma semaphore(%run_scoped3A : memref<!tpu.dma_semaphore, #tpu.memory_space<semaphore_mem>>) src(%arg8 : memref<128x128xf32, #tpu.memory_space<vmem>>) dst(%dma_wait3A_91 : memref<10240x128xf32, #tpu.memory_space<vmem_shared>>)
          tpu.yield
        }) : () -> ()
        %dma_wait3A_68 = arith.constant 0 : i32
        %dma_wait3A_69 = arith.constant 0 : i32
        %dma_wait3A_70 = tpu.memref_slice %arg2[%dma_wait3A_68, %dma_wait3A_69] : memref<20480x128xf32, #tpu.memory_space<hbm>> -> memref<128x128xf32, #tpu.memory_space<hbm>>
        %dma_wait3A_71 = arith.constant 0 : i32
        %dma_wait3A_72 = arith.constant 0 : i32
        %dma_wait3A_73 = tpu.memref_slice %arg2[%dma_wait3A_71, %dma_wait3A_72] : memref<20480x128xf32, #tpu.memory_space<hbm>> -> memref<128x128xf32, #tpu.memory_space<hbm>>
        tpu.wait_dma2 semaphore(%arg12 : memref<!tpu.dma_semaphore, #tpu.memory_space<semaphore_mem>>) src(%dma_wait3A_73 : memref<128x128xf32, #tpu.memory_space<hbm>>) dst(%arg9 : memref<128x128xf32, #tpu.memory_space<vmem>>)
        %add3A_74 = arith.constant 2 : i32
        %add3A_75 = arith.addi %add3A_54, %add3A_74 : i32
        %lt3A = arith.constant 40 : i32
        %lt3A_76 = arith.cmpi slt, %add3A_75, %lt3A : i32
        %convert_element_type3A = arith.extui %lt3A_76 : i1 to i32
        %cond3A = arith.constant 0 : i32
        %cond3A_77 = arith.cmpi ne, %convert_element_type3A, %cond3A : i32
        scf.if %cond3A_77 {
          %add3A_80 = arith.constant 2 : i32
          %add3A_81 = arith.addi %add3A_54, %add3A_80 : i32
          %dma_start3A_82 = arith.constant 0 : i32
          %dma_start3A_83 = tpu.memref_slice %arg6[%add3A_81, %dma_start3A_82] : memref<40x128xi32, #tpu.memory_space<vmem>> -> memref<1x128xi32, #tpu.memory_space<vmem>>
          %dma_start3A_84 = tpu.memref_squeeze %dma_start3A_83 : memref<1x128xi32, #tpu.memory_space<vmem>> -> memref<128xi32, #tpu.memory_space<vmem>>
          %dma_start3A_85 = arith.constant 0 : i32
          %dma_start3A_86 = arith.constant 0 : i32
          %dma_start3A_87 = tpu.memref_slice %arg2[%dma_start3A_85, %dma_start3A_86] : memref<20480x128xf32, #tpu.memory_space<hbm>> -> memref<20480x128xf32, #tpu.memory_space<hbm>>
          tpu.enqueue_indirect_dma source(%dma_start3A_87 : memref<20480x128xf32, #tpu.memory_space<hbm>>) target(%arg8 : memref<128x128xf32, #tpu.memory_space<vmem>>) offsets(%dma_start3A_84 : memref<128xi32, #tpu.memory_space<vmem>>) semaphore(%arg11 : memref<!tpu.dma_semaphore, #tpu.memory_space<semaphore_mem>>)
        } else {
        }
        %add3A_78 = arith.constant 1 : i32
        %add3A_79 = arith.addi %add3A_54, %add3A_78 : i32
        "tpu.region"() ({
          %run_scoped3A = tpu.sem_alloc : memref<!tpu.dma_semaphore, #tpu.memory_space<semaphore_mem>>
          %dma_start3A_80 = arith.constant 0 : i32
          %dma_start3A_81 = tpu.memref_slice %arg7[%add3A_79, %dma_start3A_80] : memref<40x128xi32, #tpu.memory_space<vmem>> -> memref<1x128xi32, #tpu.memory_space<vmem>>
          %dma_start3A_82 = tpu.memref_squeeze %dma_start3A_81 : memref<1x128xi32, #tpu.memory_space<vmem>> -> memref<128xi32, #tpu.memory_space<vmem>>
          %dma_start3A_83 = arith.constant 0 : i32
          %dma_start3A_84 = arith.constant 0 : i32
          %dma_start3A_85 = tpu.memref_slice %arg10[%dma_start3A_83, %dma_start3A_84] : memref<10240x128xf32, #tpu.memory_space<vmem_shared>> -> memref<10240x128xf32, #tpu.memory_space<vmem_shared>>
          tpu.enqueue_indirect_dma source(%arg9 : memref<128x128xf32, #tpu.memory_space<vmem>>) target(%dma_start3A_85 : memref<10240x128xf32, #tpu.memory_space<vmem_shared>>) offsets(%dma_start3A_82 : memref<128xi32, #tpu.memory_space<vmem>>) semaphore(%run_scoped3A : memref<!tpu.dma_semaphore, #tpu.memory_space<semaphore_mem>>) {add = true}
          %dma_wait3A_86 = arith.constant 0 : i32
          %dma_wait3A_87 = tpu.memref_slice %arg7[%add3A_79, %dma_wait3A_86] : memref<40x128xi32, #tpu.memory_space<vmem>> -> memref<1x128xi32, #tpu.memory_space<vmem>>
          %dma_wait3A_88 = tpu.memref_squeeze %dma_wait3A_87 : memref<1x128xi32, #tpu.memory_space<vmem>> -> memref<128xi32, #tpu.memory_space<vmem>>
          %dma_wait3A_89 = arith.constant 0 : i32
          %dma_wait3A_90 = arith.constant 0 : i32
          %dma_wait3A_91 = tpu.memref_slice %arg10[%dma_wait3A_89, %dma_wait3A_90] : memref<10240x128xf32, #tpu.memory_space<vmem_shared>> -> memref<10240x128xf32, #tpu.memory_space<vmem_shared>>
          tpu.wait_indirect_dma semaphore(%run_scoped3A : memref<!tpu.dma_semaphore, #tpu.memory_space<semaphore_mem>>) src(%arg9 : memref<128x128xf32, #tpu.memory_space<vmem>>) dst(%dma_wait3A_91 : memref<10240x128xf32, #tpu.memory_space<vmem_shared>>)
          tpu.yield
        }) : () -> ()
      }
      %scan3A_49 = arith.constant 20 : i32
    }
    %scan3A_19 = arith.constant 4 : i32
    %barrier3A_20 = arith.constant 0 : index
    tpu.barrier barrier_id(%barrier3A_20)
    %mul3A_21 = arith.constant 640 : i32
    %mul3A_22 = arith.muli %arg1, %mul3A_21 : i32
    %mul3A_23 = arith.constant 10240 : i32
    %mul3A_24 = arith.muli %arg0, %mul3A_23 : i32
    %mul3A_25 = arith.constant 640 : i32
    %mul3A_26 = arith.muli %arg1, %mul3A_25 : i32
    %add3A_27 = arith.addi %mul3A_24, %mul3A_26 : i32
    "tpu.region"() ({
      %run_scoped3A = tpu.sem_alloc : memref<!tpu.dma_semaphore, #tpu.memory_space<semaphore_mem>>
      %dma_start3A = arith.constant 0 : i32
      %dma_start3A_28 = tpu.memref_slice %arg5[%add3A_27, %dma_start3A] : memref<20480x128xf32, #tpu.memory_space<hbm>> -> memref<640x128xf32, #tpu.memory_space<hbm>>
      %dma_start3A_29 = arith.constant 0 : i32
      %dma_start3A_30 = tpu.memref_slice %arg10[%mul3A_22, %dma_start3A_29] : memref<10240x128xf32, #tpu.memory_space<vmem_shared>> -> memref<640x128xf32, #tpu.memory_space<vmem_shared>>
      tpu.enqueue_dma source(%dma_start3A_30 : memref<640x128xf32, #tpu.memory_space<vmem_shared>>) target(%dma_start3A_28 : memref<640x128xf32, #tpu.memory_space<hbm>>) target_semaphore(%run_scoped3A : memref<!tpu.dma_semaphore, #tpu.memory_space<semaphore_mem>>)
      %dma_wait3A = arith.constant 0 : i32
      %dma_wait3A_31 = tpu.memref_slice %arg5[%add3A_27, %dma_wait3A] : memref<20480x128xf32, #tpu.memory_space<hbm>> -> memref<640x128xf32, #tpu.memory_space<hbm>>
      %dma_wait3A_32 = arith.constant 0 : i32
      %dma_wait3A_33 = tpu.memref_slice %arg10[%mul3A_22, %dma_wait3A_32] : memref<10240x128xf32, #tpu.memory_space<vmem_shared>> -> memref<640x128xf32, #tpu.memory_space<vmem_shared>>
      tpu.wait_dma2 semaphore(%run_scoped3A : memref<!tpu.dma_semaphore, #tpu.memory_space<semaphore_mem>>) src(%dma_wait3A_33 : memref<640x128xf32, #tpu.memory_space<vmem_shared>>) dst(%dma_wait3A_31 : memref<640x128xf32, #tpu.memory_space<hbm>>)
      tpu.yield
    }) : () -> ()
    return
  }
}

module attributes {stable_mosaic.version = 14 : i64} {
  func.func @body(%arg0: i32, %arg1: memref<1024x128xf32, #tpu.memory_space<vmem>>, %arg2: memref<128x256xf32, #tpu.memory_space<vmem>>, %arg3: memref<1024x256xf32, #tpu.memory_space<vmem>>) attributes {dimension_semantics = [#tpu.dimension_semantics<arbitrary>], iteration_bounds = array<i64: 10>, scalar_prefetch = 0 : i64, scratch_operands = 0 : i64, tpu.core_type = #tpu.core_type<tc>, window_params = [{transform_indices = @transform_0, window_bounds = array<i64: 1024, 128>}, {pipeline_mode = #tpu.pipeline_mode<synchronous>, transform_indices = @transform_1, window_bounds = array<i64: 128, 256>}, {transform_indices = @transform_2, window_bounds = array<i64: 1024, 256>}]} {
    %get3A = arith.constant 0 : index
    %get3A_0 = arith.constant 0 : index
    %get3A_1 = vector.load %arg1[%get3A, %get3A_0] : memref<1024x128xf32, #tpu.memory_space<vmem>>, vector<1024x128xf32>
    %get3A_2 = arith.constant 0 : index
    %get3A_3 = arith.constant 0 : index
    %get3A_4 = vector.load %arg2[%get3A_2, %get3A_3] : memref<128x256xf32, #tpu.memory_space<vmem>>, vector<128x256xf32>
    %dot_general3A = arith.constant dense<0.000000e+00> : vector<1024x256xf32>
    %dot_general3A_5 = tpu.matmul %get3A_1, %get3A_4, %dot_general3A {dimension_numbers = #tpu.dot_dimension_numbers<[1], [0], [0], [1], [0, 0, 1, 1], [], []>, transpose_lhs_hint = false} : vector<1024x128xf32>, vector<128x256xf32>, vector<1024x256xf32> -> vector<1024x256xf32>
    %swap3A = arith.constant 0 : index
    %swap3A_6 = arith.constant 0 : index
    %swap3A_7 = vector.load %arg3[%swap3A, %swap3A_6] : memref<1024x256xf32, #tpu.memory_space<vmem>>, vector<1024x256xf32>
    tpu.vector_store %arg3[%swap3A, %swap3A_6], %dot_general3A_5 {strides = array<i32>} : memref<1024x256xf32, #tpu.memory_space<vmem>>, vector<1024x256xf32>,
    return
  }
  func.func @transform_0(%arg0: i32) -> (i32, i32) {
    %c0_i32 = arith.constant 0 : i32
    %c0_i32_0 = arith.constant 0 : i32
    return %arg0, %c0_i32 : i32, i32
  }
  func.func @transform_1(%arg0: i32) -> (i32, i32) {
    %c0_i32 = arith.constant 0 : i32
    %c0_i32_0 = arith.constant 0 : i32
    %c0_i32_1 = arith.constant 0 : i32
    return %c0_i32, %c0_i32_0 : i32, i32
  }
  func.func @transform_2(%arg0: i32) -> (i32, i32) {
    %c0_i32 = arith.constant 0 : i32
    %c0_i32_0 = arith.constant 0 : i32
    return %arg0, %c0_i32 : i32, i32
  }
}

module attributes {stable_mosaic.version = 14 : i64} {
  func.func @body(%arg0: i32, %arg1: i32, %arg2: memref<1024x128xf32, #tpu.memory_space<vmem>>, %arg3: memref<1024x128xf32, #tpu.memory_space<vmem>>, %arg4: memref<1024x128xf32, #tpu.memory_space<vmem>>, %arg5: memref<1024x128xf32, #tpu.memory_space<vmem>>, %arg6: memref<1024x128xf32, #tpu.memory_space<vmem>>) attributes {dimension_semantics = [#tpu.dimension_semantics<arbitrary>, #tpu.dimension_semantics<arbitrary>], iteration_bounds = array<i64: 10, 2>, scalar_prefetch = 0 : i64, scratch_operands = 0 : i64, tpu.core_type = #tpu.core_type<tc>, window_params = [{transform_indices = @transform_0, window_bounds = array<i64: 1024, 128>}, {transform_indices = @transform_1, window_bounds = array<i64: 1024, 128>}, {transform_indices = @transform_2, window_bounds = array<i64: 1024, 128>}, {transform_indices = @transform_3, window_bounds = array<i64: 1024, 128>}, {transform_indices = @transform_4, window_bounds = array<i64: 1024, 128>}]} {
    %get3A = arith.constant 0 : index
    %get3A_0 = arith.constant 0 : index
    %get3A_1 = vector.load %arg2[%get3A, %get3A_0] : memref<1024x128xf32, #tpu.memory_space<vmem>>, vector<1024x1xf32>
    %get3A_2 = arith.constant 0 : index
    %get3A_3 = arith.constant 0 : index
    %get3A_4 = vector.load %arg3[%get3A_2, %get3A_3] : memref<1024x128xf32, #tpu.memory_space<vmem>>, vector<1024x1xf32>
    %add3A = arith.addf %get3A_1, %get3A_4 : vector<1024x1xf32>
    %add3A_5 = arith.constant 1.000000e+00 : f32
    %add3A_6 = vector.broadcast %add3A_5 : f32 to vector<1024x1xf32>
    %add3A_7 = arith.addf %add3A, %add3A_6 : vector<1024x1xf32>
    %rsqrt3A = math.rsqrt %add3A_7 : vector<1024x1xf32>
    %broadcast_in_dim3A = vector.shape_cast %rsqrt3A : vector<1024x1xf32> to vector<1024x1xf32>
    %broadcast_in_dim3A_8 = vector.broadcast %broadcast_in_dim3A : vector<1024x1xf32> to vector<1024x128xf32>
    %swap3A = arith.constant 0 : index
    %swap3A_9 = arith.constant 0 : index
    %swap3A_10 = vector.load %arg6[%swap3A, %swap3A_9] : memref<1024x128xf32, #tpu.memory_space<vmem>>, vector<1024x128xf32>
    tpu.vector_store %arg6[%swap3A, %swap3A_9], %broadcast_in_dim3A_8 {strides = array<i32>} : memref<1024x128xf32, #tpu.memory_space<vmem>>, vector<1024x128xf32>,
    %get3A_11 = arith.constant 0 : index
    %get3A_12 = arith.constant 0 : index
    %get3A_13 = vector.load %arg4[%get3A_11, %get3A_12] : memref<1024x128xf32, #tpu.memory_space<vmem>>, vector<1024x128xf32>
    %mul3A = vector.broadcast %rsqrt3A : vector<1024x1xf32> to vector<1024x128xf32>
    %mul3A_14 = arith.mulf %get3A_13, %mul3A : vector<1024x128xf32>
    %swap3A_15 = arith.constant 0 : index
    %swap3A_16 = arith.constant 0 : index
    %swap3A_17 = vector.load %arg5[%swap3A_15, %swap3A_16] : memref<1024x128xf32, #tpu.memory_space<vmem>>, vector<1024x128xf32>
    tpu.vector_store %arg5[%swap3A_15, %swap3A_16], %mul3A_14 {strides = array<i32>} : memref<1024x128xf32, #tpu.memory_space<vmem>>, vector<1024x128xf32>,
    return
  }
  func.func @transform_0(%arg0: i32, %arg1: i32) -> (i32, i32) {
    %c0_i32 = arith.constant 0 : i32
    %c0_i32_0 = arith.constant 0 : i32
    return %arg0, %c0_i32 : i32, i32
  }
  func.func @transform_1(%arg0: i32, %arg1: i32) -> (i32, i32) {
    %add3A = arith.constant 10 : i32
    %add3A_0 = arith.addi %add3A, %arg0 : i32
    %c0_i32 = arith.constant 0 : i32
    %c0_i32_1 = arith.constant 0 : i32
    return %add3A_0, %c0_i32 : i32, i32
  }
  func.func @transform_2(%arg0: i32, %arg1: i32) -> (i32, i32) {
    %c0_i32 = arith.constant 0 : i32
    return %arg0, %arg1 : i32, i32
  }
  func.func @transform_3(%arg0: i32, %arg1: i32) -> (i32, i32) {
    %mul3A = arith.constant 10 : i32
    %mul3A_0 = arith.muli %arg1, %mul3A : i32
    %add3A = arith.addi %mul3A_0, %arg0 : i32
    %c0_i32 = arith.constant 0 : i32
    %c0_i32_1 = arith.constant 0 : i32
    return %add3A, %c0_i32 : i32, i32
  }
  func.func @transform_4(%arg0: i32, %arg1: i32) -> (i32, i32) {
    %c0_i32 = arith.constant 0 : i32
    %c0_i32_0 = arith.constant 0 : i32
    return %arg0, %c0_i32 : i32, i32
  }
}

module attributes {stable_mosaic.version = 14 : i64} {
  func.func @body(%arg0: i32, %arg1: memref<1024x128xf32, #tpu.memory_space<vmem>>, %arg2: memref<1024x128xf32, #tpu.memory_space<vmem>>, %arg3: memref<1024x128xf32, #tpu.memory_space<vmem>>, %arg4: memref<1024x128xf32, #tpu.memory_space<vmem>>, %arg5: memref<1024x128xf32, #tpu.memory_space<vmem>>, %arg6: memref<1x256xf32, #tpu.memory_space<vmem>>, %arg7: memref<256x128xf32, #tpu.memory_space<vmem>>, %arg8: memref<1024x128xf32, #tpu.memory_space<vmem>>) attributes {dimension_semantics = [#tpu.dimension_semantics<arbitrary>], iteration_bounds = array<i64: 10>, scalar_prefetch = 0 : i64, scratch_operands = 0 : i64, tpu.core_type = #tpu.core_type<tc>, window_params = [{transform_indices = @transform_0, window_bounds = array<i64: 1024, 128>}, {transform_indices = @transform_1, window_bounds = array<i64: 1024, 128>}, {transform_indices = @transform_2, window_bounds = array<i64: 1024, 128>}, {transform_indices = @transform_3, window_bounds = array<i64: 1024, 128>}, {transform_indices = @transform_4, window_bounds = array<i64: 1024, 128>}, {pipeline_mode = #tpu.pipeline_mode<synchronous>, transform_indices = @transform_5, window_bounds = array<i64: 1, 256>}, {pipeline_mode = #tpu.pipeline_mode<synchronous>, transform_indices = @transform_6, window_bounds = array<i64: 256, 128>}, {transform_indices = @transform_7, window_bounds = array<i64: 1024, 128>}]} {
    %get3A = arith.constant 0 : index
    %get3A_0 = arith.constant 0 : index
    %get3A_1 = vector.load %arg5[%get3A, %get3A_0] : memref<1024x128xf32, #tpu.memory_space<vmem>>, vector<1024x128xf32>
    %get3A_2 = arith.constant 0 : index
    %get3A_3 = arith.constant 0 : index
    %get3A_4 = vector.load %arg6[%get3A_2, %get3A_3] : memref<1x256xf32, #tpu.memory_space<vmem>>, vector<1x256xf32>
    %get3A_5 = arith.constant 0 : index
    %get3A_6 = arith.constant 0 : index
    %get3A_7 = vector.load %arg1[%get3A_5, %get3A_6] : memref<1024x128xf32, #tpu.memory_space<vmem>>, vector<1024x128xf32>
    %get3A_8 = arith.constant 0 : index
    %get3A_9 = arith.constant 0 : index
    %get3A_10 = vector.load %arg3[%get3A_8, %get3A_9] : memref<1024x128xf32, #tpu.memory_space<vmem>>, vector<1024x128xf32>
    %add3A = arith.addf %get3A_7, %get3A_10 : vector<1024x128xf32>
    %mul3A = arith.mulf %get3A_1, %add3A : vector<1024x128xf32>
    %slice3A = vector.extract_strided_slice %get3A_4 {offsets = [0, 0], sizes = [1, 128], strides = [1, 1]} : vector<1x256xf32> to vector<1x128xf32>
    %add3A_11 = vector.broadcast %slice3A : vector<1x128xf32> to vector<1024x128xf32>
    %add3A_12 = arith.addf %mul3A, %add3A_11 : vector<1024x128xf32>
    %max3A = arith.constant 0.000000e+00 : f32
    %max3A_13 = vector.broadcast %max3A : f32 to vector<1024x128xf32>
    %max3A_14 = arith.maximumf %add3A_12, %max3A_13 : vector<1024x128xf32>
    %get3A_15 = arith.constant 0 : index
    %get3A_16 = arith.constant 0 : index
    %get3A_17 = vector.load %arg2[%get3A_15, %get3A_16] : memref<1024x128xf32, #tpu.memory_space<vmem>>, vector<1024x128xf32>
    %get3A_18 = arith.constant 0 : index
    %get3A_19 = arith.constant 0 : index
    %get3A_20 = vector.load %arg4[%get3A_18, %get3A_19] : memref<1024x128xf32, #tpu.memory_space<vmem>>, vector<1024x128xf32>
    %add3A_21 = arith.addf %get3A_17, %get3A_20 : vector<1024x128xf32>
    %mul3A_22 = arith.mulf %get3A_1, %add3A_21 : vector<1024x128xf32>
    %slice3A_23 = vector.extract_strided_slice %get3A_4 {offsets = [0, 128], sizes = [1, 128], strides = [1, 1]} : vector<1x256xf32> to vector<1x128xf32>
    %add3A_24 = vector.broadcast %slice3A_23 : vector<1x128xf32> to vector<1024x128xf32>
    %add3A_25 = arith.addf %mul3A_22, %add3A_24 : vector<1024x128xf32>
    %max3A_26 = arith.constant 0.000000e+00 : f32
    %max3A_27 = vector.broadcast %max3A_26 : f32 to vector<1024x128xf32>
    %max3A_28 = arith.maximumf %add3A_25, %max3A_27 : vector<1024x128xf32>
    %concatenate3A = tpu.concatenate %max3A_14, %max3A_28 in 1 : vector<1024x128xf32>, vector<1024x128xf32> -> vector<1024x256xf32>
    %get3A_29 = arith.constant 0 : index
    %get3A_30 = arith.constant 0 : index
    %get3A_31 = vector.load %arg7[%get3A_29, %get3A_30] : memref<256x128xf32, #tpu.memory_space<vmem>>, vector<256x128xf32>
    %dot_general3A = arith.constant dense<0.000000e+00> : vector<1024x128xf32>
    %dot_general3A_32 = tpu.matmul %concatenate3A, %get3A_31, %dot_general3A {dimension_numbers = #tpu.dot_dimension_numbers<[1], [0], [0], [1], [0, 0, 1, 1], [], []>, transpose_lhs_hint = false} : vector<1024x256xf32>, vector<256x128xf32>, vector<1024x128xf32> -> vector<1024x128xf32>
    %mul3A_33 = arith.mulf %get3A_1, %dot_general3A_32 : vector<1024x128xf32>
    %swap3A = arith.constant 0 : index
    %swap3A_34 = arith.constant 0 : index
    %swap3A_35 = vector.load %arg8[%swap3A, %swap3A_34] : memref<1024x128xf32, #tpu.memory_space<vmem>>, vector<1024x128xf32>
    tpu.vector_store %arg8[%swap3A, %swap3A_34], %mul3A_33 {strides = array<i32>} : memref<1024x128xf32, #tpu.memory_space<vmem>>, vector<1024x128xf32>,
    return
  }
  func.func @transform_0(%arg0: i32) -> (i32, i32) {
    %c0_i32 = arith.constant 0 : i32
    %c0_i32_0 = arith.constant 0 : i32
    return %arg0, %c0_i32 : i32, i32
  }
  func.func @transform_1(%arg0: i32) -> (i32, i32) {
    %add3A = arith.constant 10 : i32
    %add3A_0 = arith.addi %add3A, %arg0 : i32
    %c0_i32 = arith.constant 0 : i32
    %c0_i32_1 = arith.constant 0 : i32
    return %add3A_0, %c0_i32 : i32, i32
  }
  func.func @transform_2(%arg0: i32) -> (i32, i32) {
    %c0_i32 = arith.constant 0 : i32
    %c0_i32_0 = arith.constant 0 : i32
    return %arg0, %c0_i32 : i32, i32
  }
  func.func @transform_3(%arg0: i32) -> (i32, i32) {
    %add3A = arith.constant 10 : i32
    %add3A_0 = arith.addi %add3A, %arg0 : i32
    %c0_i32 = arith.constant 0 : i32
    %c0_i32_1 = arith.constant 0 : i32
    return %add3A_0, %c0_i32 : i32, i32
  }
  func.func @transform_4(%arg0: i32) -> (i32, i32) {
    %c0_i32 = arith.constant 0 : i32
    %c0_i32_0 = arith.constant 0 : i32
    return %arg0, %c0_i32 : i32, i32
  }
  func.func @transform_5(%arg0: i32) -> (i32, i32) {
    %c0_i32 = arith.constant 0 : i32
    %c0_i32_0 = arith.constant 0 : i32
    %c0_i32_1 = arith.constant 0 : i32
    return %c0_i32, %c0_i32_0 : i32, i32
  }
  func.func @transform_6(%arg0: i32) -> (i32, i32) {
    %c0_i32 = arith.constant 0 : i32
    %c0_i32_0 = arith.constant 0 : i32
    %c0_i32_1 = arith.constant 0 : i32
    return %c0_i32, %c0_i32_0 : i32, i32
  }
  func.func @transform_7(%arg0: i32) -> (i32, i32) {
    %c0_i32 = arith.constant 0 : i32
    %c0_i32_0 = arith.constant 0 : i32
    return %arg0, %c0_i32 : i32, i32
  }
}

module attributes {stable_mosaic.version = 14 : i64} {
  func.func @body(%arg0: i32, %arg1: memref<1024x128xf32, #tpu.memory_space<vmem>>, %arg2: memref<1024x128xf32, #tpu.memory_space<vmem>>, %arg3: memref<1024x128xf32, #tpu.memory_space<vmem>>, %arg4: memref<1024x128xf32, #tpu.memory_space<vmem>>, %arg5: memref<1x128xf32, #tpu.memory_space<vmem>>, %arg6: memref<1024x128xf32, #tpu.memory_space<vmem>>) attributes {dimension_semantics = [#tpu.dimension_semantics<arbitrary>], iteration_bounds = array<i64: 10>, scalar_prefetch = 0 : i64, scratch_operands = 0 : i64, tpu.core_type = #tpu.core_type<tc>, window_params = [{transform_indices = @transform_0, window_bounds = array<i64: 1024, 128>}, {transform_indices = @transform_1, window_bounds = array<i64: 1024, 128>}, {transform_indices = @transform_2, window_bounds = array<i64: 1024, 128>}, {transform_indices = @transform_3, window_bounds = array<i64: 1024, 128>}, {pipeline_mode = #tpu.pipeline_mode<synchronous>, transform_indices = @transform_4, window_bounds = array<i64: 1, 128>}, {transform_indices = @transform_5, window_bounds = array<i64: 1024, 128>}]} {
    %get3A = arith.constant 0 : index
    %get3A_0 = arith.constant 0 : index
    %get3A_1 = vector.load %arg4[%get3A, %get3A_0] : memref<1024x128xf32, #tpu.memory_space<vmem>>, vector<1024x128xf32>
    %get3A_2 = arith.constant 0 : index
    %get3A_3 = arith.constant 0 : index
    %get3A_4 = vector.load %arg1[%get3A_2, %get3A_3] : memref<1024x128xf32, #tpu.memory_space<vmem>>, vector<1024x128xf32>
    %get3A_5 = arith.constant 0 : index
    %get3A_6 = arith.constant 0 : index
    %get3A_7 = vector.load %arg2[%get3A_5, %get3A_6] : memref<1024x128xf32, #tpu.memory_space<vmem>>, vector<1024x128xf32>
    %add3A = arith.addf %get3A_4, %get3A_7 : vector<1024x128xf32>
    %get3A_8 = arith.constant 0 : index
    %get3A_9 = arith.constant 0 : index
    %get3A_10 = vector.load %arg3[%get3A_8, %get3A_9] : memref<1024x128xf32, #tpu.memory_space<vmem>>, vector<1024x128xf32>
    %add3A_11 = arith.addf %add3A, %get3A_10 : vector<1024x128xf32>
    %mul3A = arith.mulf %get3A_1, %add3A_11 : vector<1024x128xf32>
    %get3A_12 = arith.constant 0 : index
    %get3A_13 = arith.constant 0 : index
    %get3A_14 = vector.load %arg5[%get3A_12, %get3A_13] : memref<1x128xf32, #tpu.memory_space<vmem>>, vector<1x128xf32>
    %add3A_15 = vector.broadcast %get3A_14 : vector<1x128xf32> to vector<1024x128xf32>
    %add3A_16 = arith.addf %mul3A, %add3A_15 : vector<1024x128xf32>
    %logistic3A = arith.negf %add3A_16 : vector<1024x128xf32>
    %logistic3A_17 = math.exp %logistic3A : vector<1024x128xf32>
    %logistic3A_18 = arith.constant 1.000000e+00 : f32
    %logistic3A_19 = vector.broadcast %logistic3A_18 : f32 to vector<1024x128xf32>
    %logistic3A_20 = arith.addf %logistic3A_19, %logistic3A_17 : vector<1024x128xf32>
    %logistic3A_21 = arith.divf %logistic3A_19, %logistic3A_20 : vector<1024x128xf32>
    %swap3A = arith.constant 0 : index
    %swap3A_22 = arith.constant 0 : index
    %swap3A_23 = vector.load %arg6[%swap3A, %swap3A_22] : memref<1024x128xf32, #tpu.memory_space<vmem>>, vector<1024x128xf32>
    tpu.vector_store %arg6[%swap3A, %swap3A_22], %logistic3A_21 {strides = array<i32>} : memref<1024x128xf32, #tpu.memory_space<vmem>>, vector<1024x128xf32>,
    return
  }
  func.func @transform_0(%arg0: i32) -> (i32, i32) {
    %c0_i32 = arith.constant 0 : i32
    %c0_i32_0 = arith.constant 0 : i32
    return %arg0, %c0_i32 : i32, i32
  }
  func.func @transform_1(%arg0: i32) -> (i32, i32) {
    %add3A = arith.constant 10 : i32
    %add3A_0 = arith.addi %add3A, %arg0 : i32
    %c0_i32 = arith.constant 0 : i32
    %c0_i32_1 = arith.constant 0 : i32
    return %add3A_0, %c0_i32 : i32, i32
  }
  func.func @transform_2(%arg0: i32) -> (i32, i32) {
    %c0_i32 = arith.constant 0 : i32
    %c0_i32_0 = arith.constant 0 : i32
    return %arg0, %c0_i32 : i32, i32
  }
  func.func @transform_3(%arg0: i32) -> (i32, i32) {
    %c0_i32 = arith.constant 0 : i32
    %c0_i32_0 = arith.constant 0 : i32
    return %arg0, %c0_i32 : i32, i32
  }
  func.func @transform_4(%arg0: i32) -> (i32, i32) {
    %c0_i32 = arith.constant 0 : i32
    %c0_i32_0 = arith.constant 0 : i32
    %c0_i32_1 = arith.constant 0 : i32
    return %c0_i32, %c0_i32_0 : i32, i32
  }
  func.func @transform_5(%arg0: i32) -> (i32, i32) {
    %c0_i32 = arith.constant 0 : i32
    %c0_i32_0 = arith.constant 0 : i32
    return %arg0, %c0_i32 : i32, i32
  }
}

</mosaic_0001>

<sc_bundles>
// kernel: kernel.12.cloned.1.call-start
scs
__scs_entry_jumppad:
0x0: {  	(pc) =	sbr.rel $0x88, $3  }
0x1: {  	(tag) =	ssettag $0x0;
	lr =	simm.s32 $0x1  }
0x2: {  	[smem:$0x3F9B] =	sst lr;
	_ =	strace $0xD0000000  }
0x3: {  	_ = 	snop  }
0x4: {  	_ = 	snop  }
0x5: {  	_ = 	snop  }
0x6: {  	_ = 	snop  }
0x7: {  	_ = 	snop  }
__scs_overlays_trampoline_lowered:
0x8: {  	[smem:$0x3FAA] =	sst s0  }
0x9: {  	[smem:$0x3FAB] =	sst s1  }
0xa: {  	[smem:$0x3FAC] =	sst s2  }
0xb: {  	[smem:$0x3FAD] =	sst s3  }
0xc: {  	[smem:$0x3FAE] =	sst s4  }
0xd: {  	[smem:$0x3FAF] =	sst s5  }
0xe: {  	[smem:$0x3FB0] =	sst s6  }
0xf: {  	[smem:$0x3FB1] =	sst s7  }
0x10: {  	[smem:$0x3FB2] =	sst s8  }
0x11: {  	[smem:$0x3FB3] =	sst s9;
	s0 =	simm.s32 @!p0 $0x0  }
0x12: {  	s1 =	sld [smem:$0x3F99];
	s0 =	simm.s32 @p0 $0x1  }
0x13: {  	[smem:$0x3FB4] =	sst s0;
	s0 =	simm.s32 @!p1 $0x0  }
0x14: {  	s2 =	sld [smem:$0x3F98];
	s0 =	simm.s32 @p1 $0x1  }
0x15: {  	[smem:$0x3FB5] =	sst s0;
	s0 =	simm.s32 @!p2 $0x0  }
0x16: {  	s3 =	sld [smem:$0x3FDB];
	s0 =	simm.s32 @p2 $0x1  }
0x17: {  	s4 =	simm.s32 $0x1BF5;
	[smem:$0x3FB7] =	sst s0  }
0x18: {  	s0 =	sld [smem:$0x3F9A];
	_ =	swait.ge [sflag:s4], $0x0  }
0x19: {  	s7 =	sld [smem:$0x3F9B]  }
0x1a: {  	s8 =	sadd.s32 $0xFFFFE003, lr  }
0x1b: {  	s9 =	sadd.s32 $0xFFFFFEF7, lr;
	s5 =	simm.s32 $0xFFFFFFFF;
	p2 =	slt.u32 s8, $0xFFFFF086  }
0x1c: {  	p1 =	slt.u32 s9, $0xF7A;
	s5 =	simm.s32 @!p2 $0x0  }
0x1d: {  	s5 =	simm.s32 @p1 $0x1;
	p0 =	seq.s32 s7, s2  }
0x1e: {  	s7 =	smul.u32 @!p0 $0xF7A, s2;
	p2 =	seq.s32 @!p0 s5, $0x0  }
0x1f: {  	s9 =	smul.u32 $0xF7A, s1;
	s8 =	simm.s32 @!p0 $0x1BF5;
	p2 =	por !p2, p0  }
0x20: {  	[sflag:s8] =	ssyncset.s32 @!p0 $0xFFFFF086;
	s6 =	sadd.s32 @!p0 s3, s7;
	s7 =	simm.s32 @!p0 $0x108  }
0x21: {  	s3 =	sadd.s32 s3, s9;
	s6 =	sadd.s32 @!p0 $0x88, s6;
	s7 =	simm.s32 @p2 $0x1082  }
0x22: {  	[simem:s7], [sflag:s8] =	dma.local @!p0 [hbm:s6], $0xF7A  }
0x23: {  	s9 =	sor.u32 $0xD0000000, s2;
	s6 =	simm.s32 $0x108;
	_ =	swait.ge @!p0 [sflag:s8], $0x0  }
0x24: {  	s3 =	sadd.s32 $0x88, s3;
	s6 =	simm.s32 @!p1 $0x1082;
	[sflag:s4] =	ssyncset.s32 $0xFFFFF086  }
0x25: {  	[simem:s6], [sflag:s4] =	dma.local [hbm:s3], $0xF7A  }
0x26: {  	[smem:$0x3F9B] =	sst s1;
	(tag) =	ssettag s2;
	_ =	strace s9  }
0x27: {  	s1 =	sld [smem:$0x3FAB]  }
0x28: {  	s2 =	sld [smem:$0x3FAC]  }
0x29: {  	s4 =	sld [smem:$0x3FAE]  }
0x2a: {  	p0 =	seq.s32 s5, $0x0;
	s5 =	sld [smem:$0x3FAF]  }
0x2b: {  	s6 =	sld [smem:$0x3FB0]  }
0x2c: {  	s7 =	sld [smem:$0x3FB1]  }
0x2d: {  	s3 =	simm.s32 $0x108;
	s8 =	sld [smem:$0x3FB2]  }
0x2e: {  	s3 =	simm.s32 @!p0 $0x1082;
	s9 =	sld [smem:$0x3FB3]  }
0x2f: {  	lr =	sadd.s32 s0, s3;
	s0 =	sld [smem:$0x3FAA]  }
0x30: {  	s3 =	sld [smem:$0x3FAD]  }
0x31: {  	[smem:$0x3FB6] =	sst s10  }
0x32: {  	s10 =	sld [smem:$0x3FB4];
	_ =	sdelay $0x3  }
0x33: {  	p0 =	seq.s32 s10, $0x1;
	s10 =	sld [smem:$0x3FB6];
	_ =	sdelay $0x3  }
0x34: {  	[smem:$0x3FB6] =	sst s10  }
0x35: {  	s10 =	sld [smem:$0x3FB5];
	_ =	sdelay $0x3  }
0x36: {  	p1 =	seq.s32 s10, $0x1;
	s10 =	sld [smem:$0x3FB6];
	_ =	sdelay $0x3  }
0x37: {  	[smem:$0x3FB6] =	sst s10  }
0x38: {  	s10 =	sld [smem:$0x3FB7]  }
0x39: {  	_ = 	snop;
	(pc) =	sbr.ind lr, $3  }
0x3a: {  	_ = 	snop  }
0x3b: {  	_ = 	snop  }
0x3c: {  	p2 =	seq.s32 s10, $0x1;
	s10 =	sld [smem:$0x3FB6]  }
0x3d: {  	_ =	shalt  }
0x3e: {  	_ =	shalt  }
0x3f: {  	_ =	shalt  }
0x40: {  	_ =	shalt  }
0x41: {  	_ =	shalt  }
0x42: {  	_ =	shalt  }
0x43: {  	_ =	shalt  }
0x44: {  	_ =	shalt  }
0x45: {  	_ =	shalt  }
0x46: {  	_ =	shalt  }
0x47: {  	_ =	shalt  }
0x48: {  	_ =	shalt  }
0x49: {  	_ =	shalt  }
0x4a: {  	_ =	shalt  }
0x4b: {  	_ =	shalt  }
0x4c: {  	_ =	shalt  }
0x4d: {  	_ =	shalt  }
0x4e: {  	_ =	shalt  }
0x4f: {  	_ =	shalt  }
0x50: {  	_ =	shalt  }
0x51: {  	_ =	shalt  }
0x52: {  	_ =	shalt  }
0x53: {  	_ =	shalt  }
0x54: {  	_ =	shalt  }
0x55: {  	_ =	shalt  }
0x56: {  	_ =	shalt  }
0x57: {  	_ =	shalt  }
0x58: {  	_ =	shalt  }
0x59: {  	_ =	shalt  }
0x5a: {  	_ =	shalt  }
0x5b: {  	_ =	shalt  }
0x5c: {  	_ =	shalt  }
0x5d: {  	_ =	shalt  }
0x5e: {  	_ =	shalt  }
0x5f: {  	_ =	shalt  }
0x60: {  	_ =	shalt  }
0x61: {  	_ =	shalt  }
0x62: {  	_ =	shalt  }
0x63: {  	_ =	shalt  }
0x64: {  	_ =	shalt  }
0x65: {  	_ =	shalt  }
0x66: {  	_ =	shalt  }
0x67: {  	_ =	shalt  }
0x68: {  	_ =	shalt  }
0x69: {  	_ =	shalt  }
0x6a: {  	_ =	shalt  }
0x6b: {  	_ =	shalt  }
0x6c: {  	_ =	shalt  }
0x6d: {  	_ =	shalt  }
0x6e: {  	_ =	shalt  }
0x6f: {  	_ =	shalt  }
0x70: {  	_ =	shalt  }
0x71: {  	_ =	shalt  }
0x72: {  	_ =	shalt  }
0x73: {  	_ =	shalt  }
0x74: {  	_ =	shalt  }
0x75: {  	_ =	shalt  }
0x76: {  	_ =	shalt  }
0x77: {  	_ =	shalt  }
0x78: {  	_ =	shalt  }
0x79: {  	_ =	shalt  }
0x7a: {  	_ =	shalt  }
0x7b: {  	_ =	shalt  }
0x7c: {  	_ =	shalt  }
0x7d: {  	_ =	shalt  }
0x7e: {  	_ =	shalt  }
0x7f: {  	_ =	shalt  }
0x80: {  	_ =	shalt  }
0x81: {  	_ =	shalt  }
0x82: {  	_ =	shalt  }
0x83: {  	_ =	shalt  }
0x84: {  	_ =	shalt  }
0x85: {  	_ =	shalt  }
0x86: {  	_ =	shalt  }
0x87: {  	_ =	shalt  }
.Lfunc_end0:
.L_simem_size_0:
called_computation.1_lowered:
.L_overlay_start_0:
0x88: {  	s2 =	sld [smem:$0x3FD9]  }
0x89: {  	s3 =	sld [smem:$0x3FFE];
	_ =	sdelay $0x1  }
0x8a: {  	s1 =	srdreg.scid  }
0x8b: {  	s0 =	sand.u32 $0x1, s1  }
0x8c: {  	s17 =	sshll.u32 s0, $0xA;
	s2 =	sadd.s32 s3, s2  }
0x8d: {  	s2 =	sadd.s32 s2, s17  }
0x8e: {  	[smem:$0x3FC2] =	sst s2  }
0x8f: {  	_ = 	snop  }
0x90: {  	s2 =	sld [smem:$0x3FD0];
	(tm) =	ssettm $0x1  }
0x91: {  	s18 =	sld [smem:$0x3FFB];
	_ =	sdelay $0x3  }
0x92: {  	_ =	strace s18  }
0x93: {  	s3 =	sld [smem:$0x3FFC];
	_ =	sdelay $0x3  }
0x94: {  	_ =	strace s3  }
0x95: {  	s3 =	sld [smem:$0x3FFD];
	_ =	sdelay $0x3  }
0x96: {  	_ =	strace s3  }
0x97: {  	_ =	strace $0x8FFFFFFF  }
0x98: {  	s19 =	sld [smem:$0x3FDB];
	_ =	sdelay $0x1  }
0x99: {  	s4 =	simm.s32 $_scs_section_size  }
0x9a: {  	s5 =	simm.s32 $_size__tile_overlayer_lowered;
	s6 =	simm.s32 $_tile_overlayer_lowered  }
0x9b: {  	s22 =	simm.s32 $0x1BFF;
	s21 =	sshll.u32 s6, $0x1;
	s3 =	sadd.s32 s4, s19  }
0x9c: {  	s7 =	simm.s32 $0x0;
	s20 =	sshll.u32 s5, $0x1;
	s5 =	sadd.s32 s21, s3  }
0x9d: {  	[timem:s7], [sflag:s22] =	dma.local [hbm:s5], s20  }
0x9e: {  	_ =	swait.ge [sflag:s22], s20  }
0x9f: {  	s4 =	ssub.s32 $0x0, s20;
	[sflag:s22] =	ssyncset.done $0x0  }
0xa0: {  	[sflag:s22] =	ssyncadd.s32 s4;
	_ =	sdelay $0x1  }
0xa1: {  	s23 =	simm.s32 $0x1B8B  }
0xa2: {  	_ =	swait.ge [sflag:s23], $0x1  }
0xa3: {  	[sflag:s23] =	ssyncset.done $0x0  }
0xa4: {  	s25 =	simm.s32 $0x1B8E;
	s24 =	sld [smem:$0x3FFE];
	[sflag:s23] =	ssyncadd.s32 $0xFFFFFFFF  }
0xa5: {  	s26 =	simm.s32 $execute0_lowered;
	[smem:$0x3FD2] =	sst s25  }
0xa6: {  	s5 =	sshll.u32 s26, $0x1;
	_ =	strace $0x80000049;
	[dreg:$0x1] =	wrdreg $0xFFFFFFFF  }
0xa7: {  	s28 =	simm.s32 $_size_execute0_lowered;
	s3 =	sadd.s32 s3, s5;
	[dreg:$0x0] =	wrdreg $0x0  }
0xa8: {  	s5 =	sshll.u32 s28, $0x1;
	[dreg:$0x2] =	wrdreg s3  }
0xa9: {  	[dreg:$0x3] =	wrdreg s5  }
0xaa: {  	[dreg:$0x4] =	wrdreg $0xC0  }
0xab: {  	_ =	task [dreg:s7], $0x5FFFF  }
0xac: {  	[dreg:$0x1] =	wrdreg $0xFFFFFFFF  }
0xad: {  	[dreg:$0x0] =	wrdreg $0x60  }
0xae: {  	[dreg:$0x2] =	wrdreg s24  }
0xaf: {  	[dreg:$0x3] =	wrdreg s2  }
0xb0: {  	[dreg:$0x4] =	wrdreg $0xA8000  }
0xb1: {  	[dreg:$0x5] =	wrdreg $0x9  }
0xb2: {  	_ =	task.clear_ibuf [dreg:s7], $0x6FFFF;
	_ =	strace $0x90000049  }
0xb3: {  	s29 =	simm.s32 $0x9;
	_ =	strace $0x8000004B  }
0xb4: {  	_ =	swait.ge [sflag:s29], $0x1  }
0xb5: {  	[sflag:s29] =	ssyncadd.s32 $0xFFFFFFFF  }
0xb6: {  	_ =	strace $0x9000004B  }
0xb7: {  	_ =	sfence  }
0xb8: {  	s30 =	sld [smem:$0x0];
	_ =	sdelay $0x2  }
0xb9: {  	s31 =	sshll.u32 s1, $0xD;
	s1 =	sshrl.u32 s1, $0x2  }
0xba: {  	s3 =	sand.u32 $0x4000, s31;
	s1 =	sadd.s32 s1, s30  }
0xbb: {  	s0 =	sor.u32 s3, s0;
	s1 =	sshll.u32 s1, $0x11  }
0xbc: {  	s0 =	sor.u32 s1, s0  }
0xbd: {  	s0 =	sadd.s32 $0x8F2B, s0  }
0xbe: {  	[sflag:s0] =	ssyncadd.remote.s32 $0x1  }
0xbf: {  	_ =	sfence.sel $0xFFFF  }
0xc0: {  	[dreg:$0x0] =	wrdreg $0xFFFFFFFF;
	(pc) =	sbr.abs _section_cstart, $3  }
0xc1: {  	[dreg:$0x1] =	wrdreg $0xFFFFFFFF  }
0xc2: {  	_ =	task.clear_ibuf [dreg:s7], $0x2FFFF;
	_ =	strace $0x9FFFFFFF  }
0xc3: {  	(tm) =	ssettm $0x7FFFFFFF  }
tec
execute0_lowered:
.L_overlay_start_1:
0x0: {  	(tag) =	ssettag $0x1  }
0x1: {  	s8 =	rddreg [dreg:$0x0]  }
0x2: {  	s1 =	rddreg [dreg:$0x1]  }
0x3: {  	s2 =	rddreg [dreg:$0x2]  }
0x4: {  	s3 =	srdreg.scid;
	s0 =	rddreg [dreg:$0x3]  }
0x5: {  	s4 =	simm.s32 $0x0;
	s16 =	simm.s32 $0x2800;
	s17 =	simm.s32 $0x3  }
0x6: {  	s18 =	simm.s32 $0x1400;
	s19 =	simm.s32 $0x80;
	s20 =	simm.s32 $0x1  }
0x7: {  	s21 =	simm.s32 $0x6800;
	s22 =	simm.s32 $0x2;
	s7 =	sand.u32 $0x1, s3  }
0x8: {  	s23 =	simm.s32 $0x1380;
	s3 =	stileid.u32;
	s9 =	smul.u32 $0x28000, s7  }
0x9: {  	s24 =	simm.s32 $0x2700;
	s25 =	simm.s32 $0x2780;
	s10 =	smul.u32 $0x2800, s3  }
0xa: {  	[smem:$0x7FF] =	sst s4;
	s5 =	sadd.s32 $0xC400, s8;
	s11 =	smul.u32 $0x50000, s3  }
0xb: {  	s6 =	sadd.s32 $0x2400, s8;
	s12 =	ssub.s32 $0x2, s7;
	s13 =	smul.u32 $0xA00, s7  }
0xc: {  	_ =	strace $0x8000004A;
	s7 =	smul.u32 $0xA0, s3;
	s30 =	sshrl.u32 s12, $0x1  }
0xd: {  	s9 =	sadd.s32 s10, s9;
	s12 =	ssub.s32 s12, s30;
	s31 =	sshrl.u32 s11, $0x2  }
0xe: {  	s14 =	sadd.s32 s9, s8;
	s8 =	sadd.s32 s31, s2;
	s9 =	sadd.s32 s7, s13  }
0xf: {  	s11 =	smax.u32 s12, $0x1;
	s10 =	sadd.s32 $0x5C400, s14;
	s12 =	sadd.s32 $0x4000, s8  }
0x10: {  	v0 =	vimm.f32 $0.0e+00;
	s13 =	sadd.s32 $0x8000, s8;
	s14 =	sadd.s32 $0xC000, s8;
	s15 =	sadd.s32 $0x10000, s8  }
.LBB2_1:
0x11: {  	s26 =	simm.s32 $0x0;
	s28 =	simm.s32 $0x200  }
.LBB2_2:
0x12: {  	p0 =	sne.s32 s28, $0xFE00;
	[tilespmem:s26+$0x2870] =	vst v0  }
0x13: {  	[tilespmem:s26+$0x2800] =	vst v0  }
0x14: {  	[tilespmem:s26+$0x2810] =	vst v0  }
.Ltmp0:
0x15: {  	[tilespmem:s26+$0x2820] =	vst v0;
	(pc) =	sbr.rel @p0 .LBB2_2-.Ltmp0, $4  }
0x16: {  	[tilespmem:s26+$0x2830] =	vst v0  }
0x17: {  	[tilespmem:s26+$0x2840] =	vst v0  }
0x18: {  	[tilespmem:s26+$0x2850] =	vst v0  }
0x19: {  	[tilespmem:s26+$0x2860] =	vst v0;
	s26 =	sshra.s32 s28, $0x2;
	s28 =	sadd.s32 $0x200, s28  }
0x1a: {  	[tilespmem:s26+$0x2870] =	vst v0  }
0x1b: {  	[tilespmem:s26+$0x2800] =	vst v0  }
0x1c: {  	[tilespmem:s26+$0x2810] =	vst v0  }
0x1d: {  	[tilespmem:s26+$0x2820] =	vst v0  }
0x1e: {  	[tilespmem:s26+$0x2830] =	vst v0  }
0x1f: {  	[tilespmem:s26+$0x2840] =	vst v0  }
0x20: {  	[tilespmem:s26+$0x2850] =	vst v0  }
0x21: {  	[tilespmem:s26+$0x2860] =	vst v0  }
0x22: {  	[spmem:s8] =	stream.linear.scatter [tilespmem:s16], [sflag:$0x3], $0x4000, $0x38;
	[tilespmem:$0x1E800] =	vst v63  }
0x23: {  	_ =	swait.ge [sflag:s17], $0x4000  }
0x24: {  	[sflag:s17] =	ssyncset.done $0x0  }
0x25: {  	[sflag:s17] =	ssyncadd.s32 $0xFFFFC000  }
0x26: {  	[spmem:s12] =	stream.linear.scatter [tilespmem:s16], [sflag:$0x3], $0x4000, $0x38;
	[tilespmem:$0x1E800] =	vst v63  }
0x27: {  	_ =	swait.ge [sflag:s17], $0x4000  }
0x28: {  	[sflag:s17] =	ssyncset.done $0x0  }
0x29: {  	[sflag:s17] =	ssyncadd.s32 $0xFFFFC000  }
0x2a: {  	[spmem:s13] =	stream.linear.scatter [tilespmem:s16], [sflag:$0x3], $0x4000, $0x38;
	[tilespmem:$0x1E800] =	vst v63  }
0x2b: {  	_ =	swait.ge [sflag:s17], $0x4000  }
0x2c: {  	[sflag:s17] =	ssyncset.done $0x0  }
0x2d: {  	[sflag:s17] =	ssyncadd.s32 $0xFFFFC000  }
0x2e: {  	[spmem:s14] =	stream.linear.scatter [tilespmem:s16], [sflag:$0x3], $0x4000, $0x38;
	[tilespmem:$0x1E800] =	vst v63  }
0x2f: {  	_ =	swait.ge [sflag:s17], $0x4000  }
0x30: {  	[sflag:s17] =	ssyncset.done $0x0  }
0x31: {  	[sflag:s17] =	ssyncadd.s32 $0xFFFFC000  }
0x32: {  	[spmem:s15] =	stream.linear.scatter [tilespmem:s16], [sflag:$0x3], $0x4000, $0x38;
	[tilespmem:$0x1E800] =	vst v63  }
0x33: {  	_ =	swait.ge [sflag:s17], $0x4000  }
0x34: {  	[sflag:s17] =	ssyncset.done $0x0  }
0x35: {  	[sflag:s17] =	ssyncadd.s32 $0xFFFFC000  }
0x36: {  	s26 =	simm.s32 $0x0;
	s28 =	simm.s32 $0x0;
	[bflag:$0x0] =	sbarrier.arrive $0xFFFF  }
.LBB2_4:
0x37: {  	s29 =	smul.u32 $0x28, s28;
	_ =	sdelay $0x1  }
0x38: {  	s30 =	sadd.s32 s29, s9  }
0x39: {  	s30 =	sshll.u32 s30, $0x4  }
0x3a: {  	s30 =	sadd.s32 s1, s30  }
0x3b: {  	[tilespmem:s26], [sflag:$0x3] =	stream.linear.gather [hbm4b:s30+s26], $0x1400, $0x38;
	[tilespmem:$0x1E800] =	vst v63  }
0x3c: {  	s29 =	sadd.s32 s7, s29;
	_ =	swait.ge [sflag:s17], $0x1400  }
0x3d: {  	s29 =	sshll.u32 s29, $0x4;
	[sflag:s17] =	ssyncset.done $0x0  }
0x3e: {  	s29 =	sadd.s32 s6, s29;
	[sflag:s17] =	ssyncadd.s32 $0xFFFFEC00  }
0x3f: {  	[tilespmem:s18], [sflag:$0x3] =	stream.linear.gather [hbm4b:s29+s26], $0x1400, $0x38;
	[tilespmem:$0x1E800] =	vst v63  }
0x40: {  	_ =	swait.ge [sflag:s17], $0x1400  }
0x41: {  	[sflag:s17] =	ssyncset.done $0x0  }
0x42: {  	[sflag:s17] =	ssyncadd.s32 $0xFFFFEC00  }
0x43: {  	[tilespmem:s16], [sflag:$0x1] =	stream.indirect.gather [hbm4b:s5+s19], $0x80, s26, s19, $0xb8;
	[tilespmem:$0x1E800] =	vst v63  }
0x44: {  	_ =	swait.ge [sflag:s20], $0x4000  }
0x45: {  	[sflag:s20] =	ssyncset.done $0x0  }
0x46: {  	s29 =	simm.s32 $0x80;
	[sflag:s20] =	ssyncadd.s32 $0xFFFFC000  }
0x47: {  	[tilespmem:s21], [sflag:$0x2] =	stream.indirect.gather [hbm4b:s5+s19], $0x80, s29, s19, $0xb8;
	[tilespmem:$0x1E800] =	vst v63  }
0x48: {  	s29 =	simm.s32 $0x1400  }
0x49: {  	[spmem:s2] =	stream.indirect.scatter.add.f32 [tilespmem:s16], [sflag:$0x3], $0x80, s29, s19, $0xb8;
	[tilespmem:$0x1E800] =	vst v63  }
0x4a: {  	_ =	swait.ge [sflag:s17], $0x4000  }
0x4b: {  	[sflag:s17] =	ssyncset.done $0x0  }
0x4c: {  	[sflag:s17] =	ssyncadd.s32 $0xFFFFC000  }
0x4d: {  	_ =	swait.ge [sflag:s22], $0x4000  }
0x4e: {  	[sflag:s22] =	ssyncset.done $0x0  }
0x4f: {  	s29 =	simm.s32 $0x100;
	[sflag:s22] =	ssyncadd.s32 $0xFFFFC000  }
0x50: {  	[tilespmem:s16], [sflag:$0x1] =	stream.indirect.gather [hbm4b:s5+s19], $0x80, s29, s19, $0xb8;
	[tilespmem:$0x1E800] =	vst v63  }
0x51: {  	s29 =	simm.s32 $0x1480  }
0x52: {  	[spmem:s2] =	stream.indirect.scatter.add.f32 [tilespmem:s21], [sflag:$0x3], $0x80, s29, s19, $0xb8;
	[tilespmem:$0x1E800] =	vst v63  }
0x53: {  	_ =	swait.ge [sflag:s17], $0x4000  }
0x54: {  	s29 =	simm.s32 $0x400;
	[sflag:s17] =	ssyncset.done $0x0  }
.LBB2_5:
0x55: {  	p0 =	sne.s32 s29, $0x4800  }
0x56: {  	[sflag:s17] =	ssyncadd.s32 $0xFFFFC000;
	s30 =	smov.u32 s29;
	s29 =	sadd.s32 $0x400, s29  }
0x57: {  	_ = 	snop  }
0x58: {  	_ =	swait.ge [sflag:s20], $0x4000  }
0x59: {  	s30 =	sshra.s32 s30, $0x2;
	[sflag:s20] =	ssyncset.done $0x0  }
0x5a: {  	s31 =	sadd.s32 $0x80, s30;
	[sflag:s20] =	ssyncadd.s32 $0xFFFFC000  }
0x5b: {  	[tilespmem:s21], [sflag:$0x2] =	stream.indirect.gather [hbm4b:s5+s19], $0x80, s31, s19, $0xb8;
	[tilespmem:$0x1E800] =	vst v63  }
0x5c: {  	s31 =	sadd.s32 $0x1400, s30  }
0x5d: {  	[spmem:s2] =	stream.indirect.scatter.add.f32 [tilespmem:s16], [sflag:$0x3], $0x80, s31, s19, $0xb8;
	[tilespmem:$0x1E800] =	vst v63  }
0x5e: {  	_ =	swait.ge [sflag:s17], $0x4000  }
0x5f: {  	[sflag:s17] =	ssyncset.done $0x0  }
0x60: {  	[sflag:s17] =	ssyncadd.s32 $0xFFFFC000  }
0x61: {  	_ =	swait.ge [sflag:s22], $0x4000  }
0x62: {  	[sflag:s22] =	ssyncset.done $0x0  }
0x63: {  	s31 =	sadd.s32 $0x100, s30;
	[sflag:s22] =	ssyncadd.s32 $0xFFFFC000  }
0x64: {  	[tilespmem:s16], [sflag:$0x1] =	stream.indirect.gather [hbm4b:s5+s19], $0x80, s31, s19, $0xb8;
	[tilespmem:$0x1E800] =	vst v63  }
.Ltmp1:
0x65: {  	_ = 	snop;
	(pc) =	sbr.rel @p0 .LBB2_5-.Ltmp1, $4  }
0x66: {  	s30 =	sadd.s32 $0x1480, s30  }
0x67: {  	[spmem:s2] =	stream.indirect.scatter.add.f32 [tilespmem:s21], [sflag:$0x3], $0x80, s30, s19, $0xb8;
	[tilespmem:$0x1E800] =	vst v63  }
0x68: {  	_ =	swait.ge [sflag:s17], $0x4000  }
0x69: {  	[sflag:s17] =	ssyncset.done $0x0  }
0x6a: {  	[sflag:s17] =	ssyncadd.s32 $0xFFFFC000  }
0x6b: {  	_ =	swait.ge [sflag:s20], $0x4000  }
0x6c: {  	[sflag:s20] =	ssyncset.done $0x0  }
0x6d: {  	[sflag:s20] =	ssyncadd.s32 $0xFFFFC000  }
0x6e: {  	[tilespmem:s21], [sflag:$0x2] =	stream.indirect.gather [hbm4b:s5+s19], $0x80, s23, s19, $0xb8;
	[tilespmem:$0x1E800] =	vst v63  }
0x6f: {  	_ = 	snop  }
0x70: {  	[spmem:s2] =	stream.indirect.scatter.add.f32 [tilespmem:s16], [sflag:$0x3], $0x80, s24, s19, $0xb8;
	[tilespmem:$0x1E800] =	vst v63  }
0x71: {  	_ =	swait.ge [sflag:s17], $0x4000  }
0x72: {  	[sflag:s17] =	ssyncset.done $0x0  }
0x73: {  	[sflag:s17] =	ssyncadd.s32 $0xFFFFC000  }
0x74: {  	s28 =	sadd.s32 $0x1, s28;
	_ =	swait.ge [sflag:s22], $0x4000  }
0x75: {  	p0 =	sne.s32 s28, $0x4;
	[sflag:s22] =	ssyncset.done $0x0  }
.Ltmp2:
0x76: {  	[sflag:s22] =	ssyncadd.s32 $0xFFFFC000;
	(pc) =	sbr.rel @p0 .LBB2_4-.Ltmp2, $4  }
0x77: {  	[spmem:s2] =	stream.indirect.scatter.add.f32 [tilespmem:s21], [sflag:$0x3], $0x80, s25, s19, $0xb8;
	[tilespmem:$0x1E800] =	vst v63  }
0x78: {  	_ =	swait.ge [sflag:s17], $0x4000  }
0x79: {  	[sflag:s17] =	ssyncset.done $0x0  }
0x7a: {  	[sflag:s17] =	ssyncadd.s32 $0xFFFFC000  }
0x7b: {  	s4 =	sadd.s32 $0x1, s4  }
0x7c: {  	s26 =	sshll.u32 s3, $0x6;
	[bflag:$0x0] =	sbarrier.arrive $0xFFFF;
	p0 =	sne.s32 s4, s11  }
.Ltmp3:
0x7d: {  	s28 =	sshrl.u32 s8, $0x3;
	s26 =	sor.u32 $0x1C03, s26;
	(pc) =	sbr.rel @p0 .LBB2_1-.Ltmp3, $4  }
0x7e: {  	[hbm:s10], [sflag:s26] =	dma.local [spmem:s28], $0x2800  }
0x7f: {  	_ =	swait.ge [sflag:s17], $0x2800  }
0x80: {  	[sflag:s17] =	ssyncset.done $0x0  }
0x81: {  	[sflag:s17] =	ssyncadd.s32 $0xFFFFD800  }
0x82: {  	_ =	sfence.sel $0x180000  }
0x83: {  	[bflag:$0x0] =	sbarrier.arrive $0xFFFF  }
0x84: {  	p0 =	sne.s32 s3, $0x0;
	_ =	strace $0x9000004A  }
0x85: {  	s0 =	sadd.s32 @!p0 $0x100000, s0;
	[bflag:$0x2] =	sbarrier.arrive $0xFFFF  }
0x86: {  	[sflag:s0] =	ssyncadd.tile.s32 @!p0 $0x1;
	_ =	shalt  }
.Lfunc_end2:
_tile_overlayer_lowered:
.L_overlay_start_2:
0x87: {  	(tag) =	ssettag $0x2  }
0x88: {  	s0 =	rddreg [dreg:$0x0];
	s2 =	stileid.u32  }
0x89: {  	s1 =	rddreg [dreg:$0x1];
	p0 =	sne.s32 s2, $0x0  }
0x8a: {  	s3 =	rddreg [dreg:$0x2];
	[bflag:$0x3] =	sbarrier.arrive $0xFFFF;
	s2 =	simm.s32 @!p0 $0x1C03  }
0x8b: {  	[timem:s3], [sflag:s2] =	dma.local @!p0 [hbm:s0], s1  }
0x8c: {  	s0 =	simm.s32 @!p0 $0x3  }
0x8d: {  	_ =	swait.ge @!p0 [sflag:s0], s1  }
0x8e: {  	s1 =	ssub.s32 @!p0 $0x0, s1;
	[sflag:s0] =	ssyncset.done @!p0 $0x0  }
0x8f: {  	[sflag:s0] =	ssyncadd.s32 @!p0 s1  }
0x90: {  	[bflag:$0x3] =	sbarrier.arrive $0xFFFF  }
0x91: {  	_ =	shalt  }

// kernel: kernel.15.cloned.1.call-start
scs
__scs_entry_jumppad:
0x0: {  	(pc) =	sbr.rel $0x88, $3  }
0x1: {  	(tag) =	ssettag $0x0;
	lr =	simm.s32 $0x1  }
0x2: {  	[smem:$0x3F9B] =	sst lr;
	_ =	strace $0xD0000000  }
0x3: {  	_ = 	snop  }
0x4: {  	_ = 	snop  }
0x5: {  	_ = 	snop  }
0x6: {  	_ = 	snop  }
0x7: {  	_ = 	snop  }
__scs_overlays_trampoline_lowered:
0x8: {  	[smem:$0x3FAA] =	sst s0  }
0x9: {  	[smem:$0x3FAB] =	sst s1  }
0xa: {  	[smem:$0x3FAC] =	sst s2  }
0xb: {  	[smem:$0x3FAD] =	sst s3  }
0xc: {  	[smem:$0x3FAE] =	sst s4  }
0xd: {  	[smem:$0x3FAF] =	sst s5  }
0xe: {  	[smem:$0x3FB0] =	sst s6  }
0xf: {  	[smem:$0x3FB1] =	sst s7  }
0x10: {  	[smem:$0x3FB2] =	sst s8  }
0x11: {  	[smem:$0x3FB3] =	sst s9;
	s0 =	simm.s32 @!p0 $0x0  }
0x12: {  	s1 =	sld [smem:$0x3F99];
	s0 =	simm.s32 @p0 $0x1  }
0x13: {  	[smem:$0x3FB4] =	sst s0;
	s0 =	simm.s32 @!p1 $0x0  }
0x14: {  	s2 =	sld [smem:$0x3F98];
	s0 =	simm.s32 @p1 $0x1  }
0x15: {  	[smem:$0x3FB5] =	sst s0;
	s0 =	simm.s32 @!p2 $0x0  }
0x16: {  	s3 =	sld [smem:$0x3FDB];
	s0 =	simm.s32 @p2 $0x1  }
0x17: {  	s4 =	simm.s32 $0x1BF5;
	[smem:$0x3FB7] =	sst s0  }
0x18: {  	s0 =	sld [smem:$0x3F9A];
	_ =	swait.ge [sflag:s4], $0x0  }
0x19: {  	s7 =	sld [smem:$0x3F9B]  }
0x1a: {  	s8 =	sadd.s32 $0xFFFFE003, lr  }
0x1b: {  	s9 =	sadd.s32 $0xFFFFFEF7, lr;
	s5 =	simm.s32 $0xFFFFFFFF;
	p2 =	slt.u32 s8, $0xFFFFF086  }
0x1c: {  	p1 =	slt.u32 s9, $0xF7A;
	s5 =	simm.s32 @!p2 $0x0  }
0x1d: {  	s5 =	simm.s32 @p1 $0x1;
	p0 =	seq.s32 s7, s2  }
0x1e: {  	s7 =	smul.u32 @!p0 $0xF7A, s2;
	p2 =	seq.s32 @!p0 s5, $0x0  }
0x1f: {  	s9 =	smul.u32 $0xF7A, s1;
	s8 =	simm.s32 @!p0 $0x1BF5;
	p2 =	por !p2, p0  }
0x20: {  	[sflag:s8] =	ssyncset.s32 @!p0 $0xFFFFF086;
	s6 =	sadd.s32 @!p0 s3, s7;
	s7 =	simm.s32 @!p0 $0x108  }
0x21: {  	s3 =	sadd.s32 s3, s9;
	s6 =	sadd.s32 @!p0 $0x88, s6;
	s7 =	simm.s32 @p2 $0x1082  }
0x22: {  	[simem:s7], [sflag:s8] =	dma.local @!p0 [hbm:s6], $0xF7A  }
0x23: {  	s9 =	sor.u32 $0xD0000000, s2;
	s6 =	simm.s32 $0x108;
	_ =	swait.ge @!p0 [sflag:s8], $0x0  }
0x24: {  	s3 =	sadd.s32 $0x88, s3;
	s6 =	simm.s32 @!p1 $0x1082;
	[sflag:s4] =	ssyncset.s32 $0xFFFFF086  }
0x25: {  	[simem:s6], [sflag:s4] =	dma.local [hbm:s3], $0xF7A  }
0x26: {  	[smem:$0x3F9B] =	sst s1;
	(tag) =	ssettag s2;
	_ =	strace s9  }
0x27: {  	s1 =	sld [smem:$0x3FAB]  }
0x28: {  	s2 =	sld [smem:$0x3FAC]  }
0x29: {  	s4 =	sld [smem:$0x3FAE]  }
0x2a: {  	p0 =	seq.s32 s5, $0x0;
	s5 =	sld [smem:$0x3FAF]  }
0x2b: {  	s6 =	sld [smem:$0x3FB0]  }
0x2c: {  	s7 =	sld [smem:$0x3FB1]  }
0x2d: {  	s3 =	simm.s32 $0x108;
	s8 =	sld [smem:$0x3FB2]  }
0x2e: {  	s3 =	simm.s32 @!p0 $0x1082;
	s9 =	sld [smem:$0x3FB3]  }
0x2f: {  	lr =	sadd.s32 s0, s3;
	s0 =	sld [smem:$0x3FAA]  }
0x30: {  	s3 =	sld [smem:$0x3FAD]  }
0x31: {  	[smem:$0x3FB6] =	sst s10  }
0x32: {  	s10 =	sld [smem:$0x3FB4];
	_ =	sdelay $0x3  }
0x33: {  	p0 =	seq.s32 s10, $0x1;
	s10 =	sld [smem:$0x3FB6];
	_ =	sdelay $0x3  }
0x34: {  	[smem:$0x3FB6] =	sst s10  }
0x35: {  	s10 =	sld [smem:$0x3FB5];
	_ =	sdelay $0x3  }
0x36: {  	p1 =	seq.s32 s10, $0x1;
	s10 =	sld [smem:$0x3FB6];
	_ =	sdelay $0x3  }
0x37: {  	[smem:$0x3FB6] =	sst s10  }
0x38: {  	s10 =	sld [smem:$0x3FB7]  }
0x39: {  	_ = 	snop;
	(pc) =	sbr.ind lr, $3  }
0x3a: {  	_ = 	snop  }
0x3b: {  	_ = 	snop  }
0x3c: {  	p2 =	seq.s32 s10, $0x1;
	s10 =	sld [smem:$0x3FB6]  }
0x3d: {  	_ =	shalt  }
0x3e: {  	_ =	shalt  }
0x3f: {  	_ =	shalt  }
0x40: {  	_ =	shalt  }
0x41: {  	_ =	shalt  }
0x42: {  	_ =	shalt  }
0x43: {  	_ =	shalt  }
0x44: {  	_ =	shalt  }
0x45: {  	_ =	shalt  }
0x46: {  	_ =	shalt  }
0x47: {  	_ =	shalt  }
0x48: {  	_ =	shalt  }
0x49: {  	_ =	shalt  }
0x4a: {  	_ =	shalt  }
0x4b: {  	_ =	shalt  }
0x4c: {  	_ =	shalt  }
0x4d: {  	_ =	shalt  }
0x4e: {  	_ =	shalt  }
0x4f: {  	_ =	shalt  }
0x50: {  	_ =	shalt  }
0x51: {  	_ =	shalt  }
0x52: {  	_ =	shalt  }
0x53: {  	_ =	shalt  }
0x54: {  	_ =	shalt  }
0x55: {  	_ =	shalt  }
0x56: {  	_ =	shalt  }
0x57: {  	_ =	shalt  }
0x58: {  	_ =	shalt  }
0x59: {  	_ =	shalt  }
0x5a: {  	_ =	shalt  }
0x5b: {  	_ =	shalt  }
0x5c: {  	_ =	shalt  }
0x5d: {  	_ =	shalt  }
0x5e: {  	_ =	shalt  }
0x5f: {  	_ =	shalt  }
0x60: {  	_ =	shalt  }
0x61: {  	_ =	shalt  }
0x62: {  	_ =	shalt  }
0x63: {  	_ =	shalt  }
0x64: {  	_ =	shalt  }
0x65: {  	_ =	shalt  }
0x66: {  	_ =	shalt  }
0x67: {  	_ =	shalt  }
0x68: {  	_ =	shalt  }
0x69: {  	_ =	shalt  }
0x6a: {  	_ =	shalt  }
0x6b: {  	_ =	shalt  }
0x6c: {  	_ =	shalt  }
0x6d: {  	_ =	shalt  }
0x6e: {  	_ =	shalt  }
0x6f: {  	_ =	shalt  }
0x70: {  	_ =	shalt  }
0x71: {  	_ =	shalt  }
0x72: {  	_ =	shalt  }
0x73: {  	_ =	shalt  }
0x74: {  	_ =	shalt  }
0x75: {  	_ =	shalt  }
0x76: {  	_ =	shalt  }
0x77: {  	_ =	shalt  }
0x78: {  	_ =	shalt  }
0x79: {  	_ =	shalt  }
0x7a: {  	_ =	shalt  }
0x7b: {  	_ =	shalt  }
0x7c: {  	_ =	shalt  }
0x7d: {  	_ =	shalt  }
0x7e: {  	_ =	shalt  }
0x7f: {  	_ =	shalt  }
0x80: {  	_ =	shalt  }
0x81: {  	_ =	shalt  }
0x82: {  	_ =	shalt  }
0x83: {  	_ =	shalt  }
0x84: {  	_ =	shalt  }
0x85: {  	_ =	shalt  }
0x86: {  	_ =	shalt  }
0x87: {  	_ =	shalt  }
.Lfunc_end0:
.L_simem_size_0:
called_computation.2_lowered:
.L_overlay_start_0:
0x88: {  	s2 =	sld [smem:$0x3FD9]  }
0x89: {  	s3 =	sld [smem:$0x3FFE];
	_ =	sdelay $0x1  }
0x8a: {  	s1 =	srdreg.scid  }
0x8b: {  	s0 =	sand.u32 $0x1, s1  }
0x8c: {  	s16 =	sshll.u32 s0, $0xA;
	s2 =	sadd.s32 s3, s2  }
0x8d: {  	s2 =	sadd.s32 s2, s16  }
0x8e: {  	[smem:$0x3FC2] =	sst s2  }
0x8f: {  	_ = 	snop  }
0x90: {  	(tm) =	ssettm $0x1  }
0x91: {  	s17 =	sld [smem:$0x3FFB];
	_ =	sdelay $0x3  }
0x92: {  	_ =	strace s17  }
0x93: {  	s2 =	sld [smem:$0x3FFC];
	_ =	sdelay $0x3  }
0x94: {  	_ =	strace s2  }
0x95: {  	s2 =	sld [smem:$0x3FFD];
	_ =	sdelay $0x3  }
0x96: {  	_ =	strace s2  }
0x97: {  	_ =	strace $0x8FFFFFFF  }
0x98: {  	s18 =	sld [smem:$0x3FDB];
	_ =	sdelay $0x1  }
0x99: {  	s19 =	simm.s32 $_scs_section_size  }
0x9a: {  	s4 =	simm.s32 $_size__tile_overlayer_lowered;
	s5 =	simm.s32 $_tile_overlayer_lowered  }
0x9b: {  	s22 =	simm.s32 $0x1BFF;
	s21 =	sshll.u32 s5, $0x1;
	s2 =	sadd.s32 s19, s18  }
0x9c: {  	s6 =	simm.s32 $0x0;
	s20 =	sshll.u32 s4, $0x1;
	s4 =	sadd.s32 s21, s2  }
0x9d: {  	[timem:s6], [sflag:s22] =	dma.local [hbm:s4], s20  }
0x9e: {  	_ =	swait.ge [sflag:s22], s20  }
0x9f: {  	s3 =	ssub.s32 $0x0, s20;
	[sflag:s22] =	ssyncset.done $0x0  }
0xa0: {  	[sflag:s22] =	ssyncadd.s32 s3;
	_ =	sdelay $0x1  }
0xa1: {  	s23 =	simm.s32 $0x1B8B  }
0xa2: {  	_ =	swait.ge [sflag:s23], $0x1  }
0xa3: {  	[sflag:s23] =	ssyncset.done $0x0  }
0xa4: {  	s25 =	simm.s32 $0x1B8E;
	s24 =	sld [smem:$0x3FFE];
	[sflag:s23] =	ssyncadd.s32 $0xFFFFFFFF  }
0xa5: {  	s26 =	simm.s32 $execute0_lowered;
	[smem:$0x3FD2] =	sst s25  }
0xa6: {  	s4 =	sshll.u32 s26, $0x1;
	_ =	strace $0x8000004C;
	[dreg:$0x1] =	wrdreg $0xFFFFFFFF  }
0xa7: {  	s28 =	simm.s32 $_size_execute0_lowered;
	s2 =	sadd.s32 s2, s4;
	[dreg:$0x0] =	wrdreg $0x0  }
0xa8: {  	s4 =	sshll.u32 s28, $0x1;
	[dreg:$0x2] =	wrdreg s2  }
0xa9: {  	[dreg:$0x3] =	wrdreg s4  }
0xaa: {  	[dreg:$0x4] =	wrdreg $0xC0  }
0xab: {  	_ =	task [dreg:s6], $0x5FFFF  }
0xac: {  	[dreg:$0x1] =	wrdreg $0xFFFFFFFF  }
0xad: {  	[dreg:$0x0] =	wrdreg $0x60  }
0xae: {  	[dreg:$0x2] =	wrdreg s24  }
0xaf: {  	[dreg:$0x3] =	wrdreg $0xA8000  }
0xb0: {  	[dreg:$0x4] =	wrdreg $0x9  }
0xb1: {  	_ =	task.clear_ibuf [dreg:s6], $0x5FFFF;
	_ =	strace $0x9000004C  }
0xb2: {  	s29 =	simm.s32 $0x9;
	_ =	strace $0x8000004E  }
0xb3: {  	_ =	swait.ge [sflag:s29], $0x1  }
0xb4: {  	[sflag:s29] =	ssyncadd.s32 $0xFFFFFFFF  }
0xb5: {  	_ =	strace $0x9000004E  }
0xb6: {  	_ =	sfence  }
0xb7: {  	s30 =	sld [smem:$0x0];
	_ =	sdelay $0x2  }
0xb8: {  	s31 =	sshll.u32 s1, $0xD;
	s1 =	sshrl.u32 s1, $0x2  }
0xb9: {  	s3 =	sand.u32 $0x4000, s31;
	s1 =	sadd.s32 s1, s30  }
0xba: {  	s0 =	sor.u32 s3, s0;
	s1 =	sshll.u32 s1, $0x11  }
0xbb: {  	s0 =	sor.u32 s1, s0  }
0xbc: {  	s0 =	sadd.s32 $0x8F2B, s0  }
0xbd: {  	[sflag:s0] =	ssyncadd.remote.s32 $0x1  }
0xbe: {  	_ =	sfence.sel $0xFFFF  }
0xbf: {  	[dreg:$0x0] =	wrdreg $0xFFFFFFFF;
	(pc) =	sbr.abs _section_cstart, $3  }
0xc0: {  	[dreg:$0x1] =	wrdreg $0xFFFFFFFF  }
0xc1: {  	_ =	task.clear_ibuf [dreg:s6], $0x2FFFF;
	_ =	strace $0x9FFFFFFF  }
0xc2: {  	(tm) =	ssettm $0x7FFFFFFF  }
0xc3: {  	_ =	shalt  }
tec
execute0_lowered:
.L_overlay_start_1:
0x0: {  	(tag) =	ssettag $0x1  }
0x1: {  	s5 =	rddreg [dreg:$0x0]  }
0x2: {  	s1 =	rddreg [dreg:$0x1]  }
0x3: {  	s0 =	rddreg [dreg:$0x2];
	s3 =	simm.s32 $0x0;
	s2 =	srdreg.scid  }
0x4: {  	s17 =	simm.s32 $0x3;
	s18 =	simm.s32 $0x1400;
	s19 =	simm.s32 $0x80  }
0x5: {  	s20 =	simm.s32 $0x1;
	s21 =	simm.s32 $0x6800;
	s6 =	sand.u32 $0x1, s2  }
0x6: {  	s22 =	simm.s32 $0x2;
	s2 =	stileid.u32;
	s7 =	smul.u32 $0x28000, s6  }
0x7: {  	s23 =	simm.s32 $0x1380;
	s24 =	simm.s32 $0x2700;
	s8 =	smul.u32 $0x2800, s2  }
0x8: {  	s25 =	simm.s32 $0x2780;
	[smem:$0x7FF] =	sst s3;
	s9 =	smul.u32 $0x50000, s2  }
0x9: {  	s4 =	sadd.s32 $0xC400, s5;
	s10 =	ssub.s32 $0x2, s6;
	s6 =	smul.u32 $0x500, s6  }
0xa: {  	s14 =	sadd.s32 $0xAC400, s5;
	s15 =	sadd.s32 $0x2400, s5;
	s11 =	smul.u32 $0x50, s2  }
0xb: {  	_ =	strace $0x8000004D;
	s30 =	sshrl.u32 s10, $0x1;
	s7 =	sadd.s32 s8, s7  }
0xc: {  	s8 =	ssub.s32 s10, s30;
	s31 =	sshrl.u32 s9, $0x2;
	s12 =	sadd.s32 s11, s6  }
0xd: {  	s7 =	sadd.s32 s7, s5;
	s5 =	sadd.s32 s31, s1;
	s16 =	sshll.u32 s12, $0x4  }
0xe: {  	s6 =	sadd.s32 $0x34400, s7;
	s7 =	smax.u32 s8, $0x1;
	s8 =	sadd.s32 $0x4000, s5  }
0xf: {  	s9 =	sadd.s32 $0x8000, s5;
	s10 =	sadd.s32 $0xC000, s5;
	s11 =	sadd.s32 $0x10000, s5  }
0x10: {  	s12 =	sadd.s32 s14, s16;
	s13 =	sadd.s32 s15, s16;
	s16 =	sadd.s32 $0x280, s16  }
0x11: {  	v0 =	vimm.f32 $0.0e+00;
	s14 =	sadd.s32 s14, s16;
	s15 =	sadd.s32 s15, s16;
	s16 =	simm.s32 $0x2800  }
.LBB2_1:
0x12: {  	s26 =	simm.s32 $0x0;
	s28 =	simm.s32 $0x200  }
.LBB2_2:
0x13: {  	p0 =	sne.s32 s28, $0xFE00;
	[tilespmem:s26+$0x2870] =	vst v0  }
0x14: {  	[tilespmem:s26+$0x2800] =	vst v0  }
0x15: {  	[tilespmem:s26+$0x2810] =	vst v0  }
.Ltmp0:
0x16: {  	[tilespmem:s26+$0x2820] =	vst v0;
	(pc) =	sbr.rel @p0 .LBB2_2-.Ltmp0, $4  }
0x17: {  	[tilespmem:s26+$0x2830] =	vst v0  }
0x18: {  	[tilespmem:s26+$0x2840] =	vst v0  }
0x19: {  	[tilespmem:s26+$0x2850] =	vst v0  }
0x1a: {  	[tilespmem:s26+$0x2860] =	vst v0;
	s26 =	sshra.s32 s28, $0x2;
	s28 =	sadd.s32 $0x200, s28  }
0x1b: {  	[tilespmem:s26+$0x2870] =	vst v0  }
0x1c: {  	[tilespmem:s26+$0x2800] =	vst v0  }
0x1d: {  	[tilespmem:s26+$0x2810] =	vst v0  }
0x1e: {  	[tilespmem:s26+$0x2820] =	vst v0  }
0x1f: {  	[tilespmem:s26+$0x2830] =	vst v0  }
0x20: {  	[tilespmem:s26+$0x2840] =	vst v0  }
0x21: {  	[tilespmem:s26+$0x2850] =	vst v0  }
0x22: {  	[tilespmem:s26+$0x2860] =	vst v0  }
0x23: {  	[spmem:s5] =	stream.linear.scatter [tilespmem:s16], [sflag:$0x3], $0x4000, $0x38;
	[tilespmem:$0x1E800] =	vst v63  }
0x24: {  	_ =	swait.ge [sflag:s17], $0x4000  }
0x25: {  	[sflag:s17] =	ssyncset.done $0x0  }
0x26: {  	[sflag:s17] =	ssyncadd.s32 $0xFFFFC000  }
0x27: {  	[spmem:s8] =	stream.linear.scatter [tilespmem:s16], [sflag:$0x3], $0x4000, $0x38;
	[tilespmem:$0x1E800] =	vst v63  }
0x28: {  	_ =	swait.ge [sflag:s17], $0x4000  }
0x29: {  	[sflag:s17] =	ssyncset.done $0x0  }
0x2a: {  	[sflag:s17] =	ssyncadd.s32 $0xFFFFC000  }
0x2b: {  	[spmem:s9] =	stream.linear.scatter [tilespmem:s16], [sflag:$0x3], $0x4000, $0x38;
	[tilespmem:$0x1E800] =	vst v63  }
0x2c: {  	_ =	swait.ge [sflag:s17], $0x4000  }
0x2d: {  	[sflag:s17] =	ssyncset.done $0x0  }
0x2e: {  	[sflag:s17] =	ssyncadd.s32 $0xFFFFC000  }
0x2f: {  	[spmem:s10] =	stream.linear.scatter [tilespmem:s16], [sflag:$0x3], $0x4000, $0x38;
	[tilespmem:$0x1E800] =	vst v63  }
0x30: {  	_ =	swait.ge [sflag:s17], $0x4000  }
0x31: {  	[sflag:s17] =	ssyncset.done $0x0  }
0x32: {  	[sflag:s17] =	ssyncadd.s32 $0xFFFFC000  }
0x33: {  	[spmem:s11] =	stream.linear.scatter [tilespmem:s16], [sflag:$0x3], $0x4000, $0x38;
	[tilespmem:$0x1E800] =	vst v63  }
0x34: {  	_ =	swait.ge [sflag:s17], $0x4000  }
0x35: {  	[sflag:s17] =	ssyncset.done $0x0  }
0x36: {  	[sflag:s17] =	ssyncadd.s32 $0xFFFFC000  }
0x37: {  	s31 =	simm.s32 $0x0;
	[bflag:$0x0] =	sbarrier.arrive $0xFFFF  }
0x38: {  	[tilespmem:s31], [sflag:$0x3] =	stream.linear.gather [hbm4b:s12+s31], $0x1400, $0x38;
	[tilespmem:$0x1E800] =	vst v63  }
0x39: {  	_ =	swait.ge [sflag:s17], $0x1400  }
0x3a: {  	[sflag:s17] =	ssyncset.done $0x0  }
0x3b: {  	[sflag:s17] =	ssyncadd.s32 $0xFFFFEC00  }
0x3c: {  	[tilespmem:s18], [sflag:$0x3] =	stream.linear.gather [hbm4b:s13+s31], $0x1400, $0x38;
	[tilespmem:$0x1E800] =	vst v63  }
0x3d: {  	_ =	swait.ge [sflag:s17], $0x1400  }
0x3e: {  	[sflag:s17] =	ssyncset.done $0x0  }
0x3f: {  	[sflag:s17] =	ssyncadd.s32 $0xFFFFEC00  }
0x40: {  	[tilespmem:s16], [sflag:$0x1] =	stream.indirect.gather [hbm4b:s4+s19], $0x80, s31, s19, $0xb8;
	[tilespmem:$0x1E800] =	vst v63  }
0x41: {  	_ =	swait.ge [sflag:s20], $0x4000  }
0x42: {  	[sflag:s20] =	ssyncset.done $0x0  }
0x43: {  	s28 =	simm.s32 $0x80;
	[sflag:s20] =	ssyncadd.s32 $0xFFFFC000  }
0x44: {  	[tilespmem:s21], [sflag:$0x2] =	stream.indirect.gather [hbm4b:s4+s19], $0x80, s28, s19, $0xb8;
	[tilespmem:$0x1E800] =	vst v63  }
0x45: {  	s29 =	simm.s32 $0x1400  }
0x46: {  	[spmem:s1] =	stream.indirect.scatter.add.f32 [tilespmem:s16], [sflag:$0x3], $0x80, s29, s19, $0xb8;
	[tilespmem:$0x1E800] =	vst v63  }
0x47: {  	_ =	swait.ge [sflag:s17], $0x4000  }
0x48: {  	[sflag:s17] =	ssyncset.done $0x0  }
0x49: {  	[sflag:s17] =	ssyncadd.s32 $0xFFFFC000  }
0x4a: {  	_ =	swait.ge [sflag:s22], $0x4000  }
0x4b: {  	[sflag:s22] =	ssyncset.done $0x0  }
0x4c: {  	s30 =	simm.s32 $0x100;
	[sflag:s22] =	ssyncadd.s32 $0xFFFFC000  }
0x4d: {  	[tilespmem:s16], [sflag:$0x1] =	stream.indirect.gather [hbm4b:s4+s19], $0x80, s30, s19, $0xb8;
	[tilespmem:$0x1E800] =	vst v63  }
0x4e: {  	s31 =	simm.s32 $0x1480  }
0x4f: {  	[spmem:s1] =	stream.indirect.scatter.add.f32 [tilespmem:s21], [sflag:$0x3], $0x80, s31, s19, $0xb8;
	[tilespmem:$0x1E800] =	vst v63  }
0x50: {  	_ =	swait.ge [sflag:s17], $0x4000  }
0x51: {  	s26 =	simm.s32 $0x400;
	[sflag:s17] =	ssyncset.done $0x0  }
.LBB2_4:
0x52: {  	p0 =	sne.s32 s26, $0x4800  }
0x53: {  	[sflag:s17] =	ssyncadd.s32 $0xFFFFC000;
	s28 =	smov.u32 s26;
	s26 =	sadd.s32 $0x400, s26  }
0x54: {  	_ = 	snop  }
0x55: {  	_ =	swait.ge [sflag:s20], $0x4000  }
0x56: {  	s28 =	sshra.s32 s28, $0x2;
	[sflag:s20] =	ssyncset.done $0x0  }
0x57: {  	s29 =	sadd.s32 $0x80, s28;
	[sflag:s20] =	ssyncadd.s32 $0xFFFFC000  }
0x58: {  	[tilespmem:s21], [sflag:$0x2] =	stream.indirect.gather [hbm4b:s4+s19], $0x80, s29, s19, $0xb8;
	[tilespmem:$0x1E800] =	vst v63  }
0x59: {  	s29 =	sadd.s32 $0x1400, s28  }
0x5a: {  	[spmem:s1] =	stream.indirect.scatter.add.f32 [tilespmem:s16], [sflag:$0x3], $0x80, s29, s19, $0xb8;
	[tilespmem:$0x1E800] =	vst v63  }
0x5b: {  	_ =	swait.ge [sflag:s17], $0x4000  }
0x5c: {  	[sflag:s17] =	ssyncset.done $0x0  }
0x5d: {  	[sflag:s17] =	ssyncadd.s32 $0xFFFFC000  }
0x5e: {  	_ =	swait.ge [sflag:s22], $0x4000  }
0x5f: {  	[sflag:s22] =	ssyncset.done $0x0  }
0x60: {  	s29 =	sadd.s32 $0x100, s28;
	[sflag:s22] =	ssyncadd.s32 $0xFFFFC000  }
0x61: {  	[tilespmem:s16], [sflag:$0x1] =	stream.indirect.gather [hbm4b:s4+s19], $0x80, s29, s19, $0xb8;
	[tilespmem:$0x1E800] =	vst v63  }
.Ltmp1:
0x62: {  	_ = 	snop;
	(pc) =	sbr.rel @p0 .LBB2_4-.Ltmp1, $4  }
0x63: {  	s28 =	sadd.s32 $0x1480, s28  }
0x64: {  	[spmem:s1] =	stream.indirect.scatter.add.f32 [tilespmem:s21], [sflag:$0x3], $0x80, s28, s19, $0xb8;
	[tilespmem:$0x1E800] =	vst v63  }
0x65: {  	_ =	swait.ge [sflag:s17], $0x4000  }
0x66: {  	[sflag:s17] =	ssyncset.done $0x0  }
0x67: {  	[sflag:s17] =	ssyncadd.s32 $0xFFFFC000  }
0x68: {  	_ =	swait.ge [sflag:s20], $0x4000  }
0x69: {  	[sflag:s20] =	ssyncset.done $0x0  }
0x6a: {  	[sflag:s20] =	ssyncadd.s32 $0xFFFFC000  }
0x6b: {  	[tilespmem:s21], [sflag:$0x2] =	stream.indirect.gather [hbm4b:s4+s19], $0x80, s23, s19, $0xb8;
	[tilespmem:$0x1E800] =	vst v63  }
0x6c: {  	_ = 	snop  }
0x6d: {  	[spmem:s1] =	stream.indirect.scatter.add.f32 [tilespmem:s16], [sflag:$0x3], $0x80, s24, s19, $0xb8;
	[tilespmem:$0x1E800] =	vst v63  }
0x6e: {  	_ =	swait.ge [sflag:s17], $0x4000  }
0x6f: {  	[sflag:s17] =	ssyncset.done $0x0  }
0x70: {  	[sflag:s17] =	ssyncadd.s32 $0xFFFFC000  }
0x71: {  	_ =	swait.ge [sflag:s22], $0x4000  }
0x72: {  	[sflag:s22] =	ssyncset.done $0x0  }
0x73: {  	[sflag:s22] =	ssyncadd.s32 $0xFFFFC000  }
0x74: {  	[spmem:s1] =	stream.indirect.scatter.add.f32 [tilespmem:s21], [sflag:$0x3], $0x80, s25, s19, $0xb8;
	[tilespmem:$0x1E800] =	vst v63  }
0x75: {  	_ =	swait.ge [sflag:s17], $0x4000  }
0x76: {  	[sflag:s17] =	ssyncset.done $0x0  }
0x77: {  	s26 =	simm.s32 $0x0;
	[sflag:s17] =	ssyncadd.s32 $0xFFFFC000  }
0x78: {  	[tilespmem:s26], [sflag:$0x3] =	stream.linear.gather [hbm4b:s14+s26], $0x1400, $0x38;
	[tilespmem:$0x1E800] =	vst v63  }
0x79: {  	_ =	swait.ge [sflag:s17], $0x1400  }
0x7a: {  	[sflag:s17] =	ssyncset.done $0x0  }
0x7b: {  	[sflag:s17] =	ssyncadd.s32 $0xFFFFEC00  }
0x7c: {  	[tilespmem:s18], [sflag:$0x3] =	stream.linear.gather [hbm4b:s15+s26], $0x1400, $0x38;
	[tilespmem:$0x1E800] =	vst v63  }
0x7d: {  	_ =	swait.ge [sflag:s17], $0x1400  }
0x7e: {  	[sflag:s17] =	ssyncset.done $0x0  }
0x7f: {  	[sflag:s17] =	ssyncadd.s32 $0xFFFFEC00  }
0x80: {  	[tilespmem:s16], [sflag:$0x1] =	stream.indirect.gather [hbm4b:s4+s19], $0x80, s26, s19, $0xb8;
	[tilespmem:$0x1E800] =	vst v63  }
0x81: {  	_ =	swait.ge [sflag:s20], $0x4000  }
0x82: {  	[sflag:s20] =	ssyncset.done $0x0  }
0x83: {  	s28 =	simm.s32 $0x80;
	[sflag:s20] =	ssyncadd.s32 $0xFFFFC000  }
0x84: {  	[tilespmem:s21], [sflag:$0x2] =	stream.indirect.gather [hbm4b:s4+s19], $0x80, s28, s19, $0xb8;
	[tilespmem:$0x1E800] =	vst v63  }
0x85: {  	s29 =	simm.s32 $0x1400  }
0x86: {  	[spmem:s1] =	stream.indirect.scatter.add.f32 [tilespmem:s16], [sflag:$0x3], $0x80, s29, s19, $0xb8;
	[tilespmem:$0x1E800] =	vst v63  }
0x87: {  	_ =	swait.ge [sflag:s17], $0x4000  }
0x88: {  	[sflag:s17] =	ssyncset.done $0x0  }
0x89: {  	[sflag:s17] =	ssyncadd.s32 $0xFFFFC000  }
0x8a: {  	_ =	swait.ge [sflag:s22], $0x4000  }
0x8b: {  	[sflag:s22] =	ssyncset.done $0x0  }
0x8c: {  	s30 =	simm.s32 $0x100;
	[sflag:s22] =	ssyncadd.s32 $0xFFFFC000  }
0x8d: {  	[tilespmem:s16], [sflag:$0x1] =	stream.indirect.gather [hbm4b:s4+s19], $0x80, s30, s19, $0xb8;
	[tilespmem:$0x1E800] =	vst v63  }
0x8e: {  	s31 =	simm.s32 $0x1480  }
0x8f: {  	[spmem:s1] =	stream.indirect.scatter.add.f32 [tilespmem:s21], [sflag:$0x3], $0x80, s31, s19, $0xb8;
	[tilespmem:$0x1E800] =	vst v63  }
0x90: {  	_ =	swait.ge [sflag:s17], $0x4000  }
0x91: {  	s26 =	simm.s32 $0x400;
	[sflag:s17] =	ssyncset.done $0x0  }
.LBB2_6:
0x92: {  	p0 =	sne.s32 s26, $0x4800  }
0x93: {  	[sflag:s17] =	ssyncadd.s32 $0xFFFFC000;
	s28 =	smov.u32 s26;
	s26 =	sadd.s32 $0x400, s26  }
0x94: {  	_ = 	snop  }
0x95: {  	_ =	swait.ge [sflag:s20], $0x4000  }
0x96: {  	s28 =	sshra.s32 s28, $0x2;
	[sflag:s20] =	ssyncset.done $0x0  }
0x97: {  	s29 =	sadd.s32 $0x80, s28;
	[sflag:s20] =	ssyncadd.s32 $0xFFFFC000  }
0x98: {  	[tilespmem:s21], [sflag:$0x2] =	stream.indirect.gather [hbm4b:s4+s19], $0x80, s29, s19, $0xb8;
	[tilespmem:$0x1E800] =	vst v63  }
0x99: {  	s29 =	sadd.s32 $0x1400, s28  }
0x9a: {  	[spmem:s1] =	stream.indirect.scatter.add.f32 [tilespmem:s16], [sflag:$0x3], $0x80, s29, s19, $0xb8;
	[tilespmem:$0x1E800] =	vst v63  }
0x9b: {  	_ =	swait.ge [sflag:s17], $0x4000  }
0x9c: {  	[sflag:s17] =	ssyncset.done $0x0  }
0x9d: {  	[sflag:s17] =	ssyncadd.s32 $0xFFFFC000  }
0x9e: {  	_ =	swait.ge [sflag:s22], $0x4000  }
0x9f: {  	[sflag:s22] =	ssyncset.done $0x0  }
0xa0: {  	s29 =	sadd.s32 $0x100, s28;
	[sflag:s22] =	ssyncadd.s32 $0xFFFFC000  }
0xa1: {  	[tilespmem:s16], [sflag:$0x1] =	stream.indirect.gather [hbm4b:s4+s19], $0x80, s29, s19, $0xb8;
	[tilespmem:$0x1E800] =	vst v63  }
.Ltmp2:
0xa2: {  	_ = 	snop;
	(pc) =	sbr.rel @p0 .LBB2_6-.Ltmp2, $4  }
0xa3: {  	s28 =	sadd.s32 $0x1480, s28  }
0xa4: {  	[spmem:s1] =	stream.indirect.scatter.add.f32 [tilespmem:s21], [sflag:$0x3], $0x80, s28, s19, $0xb8;
	[tilespmem:$0x1E800] =	vst v63  }
0xa5: {  	_ =	swait.ge [sflag:s17], $0x4000  }
0xa6: {  	[sflag:s17] =	ssyncset.done $0x0  }
0xa7: {  	[sflag:s17] =	ssyncadd.s32 $0xFFFFC000  }
0xa8: {  	_ =	swait.ge [sflag:s20], $0x4000  }
0xa9: {  	[sflag:s20] =	ssyncset.done $0x0  }
0xaa: {  	[sflag:s20] =	ssyncadd.s32 $0xFFFFC000  }
0xab: {  	[tilespmem:s21], [sflag:$0x2] =	stream.indirect.gather [hbm4b:s4+s19], $0x80, s23, s19, $0xb8;
	[tilespmem:$0x1E800] =	vst v63  }
0xac: {  	_ = 	snop  }
0xad: {  	[spmem:s1] =	stream.indirect.scatter.add.f32 [tilespmem:s16], [sflag:$0x3], $0x80, s24, s19, $0xb8;
	[tilespmem:$0x1E800] =	vst v63  }
0xae: {  	_ =	swait.ge [sflag:s17], $0x4000  }
0xaf: {  	[sflag:s17] =	ssyncset.done $0x0  }
0xb0: {  	[sflag:s17] =	ssyncadd.s32 $0xFFFFC000  }
0xb1: {  	_ =	swait.ge [sflag:s22], $0x4000  }
0xb2: {  	[sflag:s22] =	ssyncset.done $0x0  }
0xb3: {  	[sflag:s22] =	ssyncadd.s32 $0xFFFFC000  }
0xb4: {  	[spmem:s1] =	stream.indirect.scatter.add.f32 [tilespmem:s21], [sflag:$0x3], $0x80, s25, s19, $0xb8;
	[tilespmem:$0x1E800] =	vst v63  }
0xb5: {  	_ =	swait.ge [sflag:s17], $0x4000  }
0xb6: {  	s26 =	sshll.u32 s2, $0x6;
	s3 =	sadd.s32 $0x1, s3;
	[sflag:s17] =	ssyncset.done $0x0  }
0xb7: {  	s28 =	sshrl.u32 s5, $0x3;
	p0 =	sne.s32 s3, s7;
	[sflag:s17] =	ssyncadd.s32 $0xFFFFC000  }
.Ltmp3:
0xb8: {  	s26 =	sor.u32 $0x1C03, s26;
	[bflag:$0x0] =	sbarrier.arrive $0xFFFF;
	(pc) =	sbr.rel @p0 .LBB2_1-.Ltmp3, $4  }
0xb9: {  	[hbm:s6], [sflag:s26] =	dma.local [spmem:s28], $0x2800  }
0xba: {  	_ =	swait.ge [sflag:s17], $0x2800  }
0xbb: {  	[sflag:s17] =	ssyncset.done $0x0  }
0xbc: {  	[sflag:s17] =	ssyncadd.s32 $0xFFFFD800  }
0xbd: {  	_ =	sfence.sel $0x180000  }
0xbe: {  	[bflag:$0x0] =	sbarrier.arrive $0xFFFF  }
0xbf: {  	p0 =	sne.s32 s2, $0x0;
	_ =	strace $0x9000004D  }
0xc0: {  	s0 =	sadd.s32 @!p0 $0x100000, s0;
	[bflag:$0x2] =	sbarrier.arrive $0xFFFF  }
0xc1: {  	[sflag:s0] =	ssyncadd.tile.s32 @!p0 $0x1;
	_ =	shalt  }
.Lfunc_end2:
_tile_overlayer_lowered:
.L_overlay_start_2:
0xc2: {  	(tag) =	ssettag $0x2  }
0xc3: {  	s0 =	rddreg [dreg:$0x0];
	s2 =	stileid.u32  }
0xc4: {  	s1 =	rddreg [dreg:$0x1];
	p0 =	sne.s32 s2, $0x0  }
0xc5: {  	s3 =	rddreg [dreg:$0x2];
	[bflag:$0x3] =	sbarrier.arrive $0xFFFF;
	s2 =	simm.s32 @!p0 $0x1C03  }
0xc6: {  	[timem:s3], [sflag:s2] =	dma.local @!p0 [hbm:s0], s1  }
0xc7: {  	s0 =	simm.s32 @!p0 $0x3  }
0xc8: {  	_ =	swait.ge @!p0 [sflag:s0], s1  }
0xc9: {  	s1 =	ssub.s32 @!p0 $0x0, s1;
	[sflag:s0] =	ssyncset.done @!p0 $0x0  }
0xca: {  	[sflag:s0] =	ssyncadd.s32 @!p0 s1  }
0xcb: {  	[bflag:$0x3] =	sbarrier.arrive $0xFFFF  }
0xcc: {  	_ =	shalt  }

// kernel: kernel.9.cloned.1.call-start
scs
__scs_entry_jumppad:
0x0: {  	(pc) =	sbr.rel $0x88, $3  }
0x1: {  	(tag) =	ssettag $0x0;
	lr =	simm.s32 $0x1  }
0x2: {  	[smem:$0x3F9B] =	sst lr;
	_ =	strace $0xD0000000  }
0x3: {  	_ = 	snop  }
0x4: {  	_ = 	snop  }
0x5: {  	_ = 	snop  }
0x6: {  	_ = 	snop  }
0x7: {  	_ = 	snop  }
__scs_overlays_trampoline_lowered:
0x8: {  	[smem:$0x3FAA] =	sst s0  }
0x9: {  	[smem:$0x3FAB] =	sst s1  }
0xa: {  	[smem:$0x3FAC] =	sst s2  }
0xb: {  	[smem:$0x3FAD] =	sst s3  }
0xc: {  	[smem:$0x3FAE] =	sst s4  }
0xd: {  	[smem:$0x3FAF] =	sst s5  }
0xe: {  	[smem:$0x3FB0] =	sst s6  }
0xf: {  	[smem:$0x3FB1] =	sst s7  }
0x10: {  	[smem:$0x3FB2] =	sst s8  }
0x11: {  	[smem:$0x3FB3] =	sst s9;
	s0 =	simm.s32 @!p0 $0x0  }
0x12: {  	s1 =	sld [smem:$0x3F99];
	s0 =	simm.s32 @p0 $0x1  }
0x13: {  	[smem:$0x3FB4] =	sst s0;
	s0 =	simm.s32 @!p1 $0x0  }
0x14: {  	s2 =	sld [smem:$0x3F98];
	s0 =	simm.s32 @p1 $0x1  }
0x15: {  	[smem:$0x3FB5] =	sst s0;
	s0 =	simm.s32 @!p2 $0x0  }
0x16: {  	s3 =	sld [smem:$0x3FDB];
	s0 =	simm.s32 @p2 $0x1  }
0x17: {  	s4 =	simm.s32 $0x1BF5;
	[smem:$0x3FB7] =	sst s0  }
0x18: {  	s0 =	sld [smem:$0x3F9A];
	_ =	swait.ge [sflag:s4], $0x0  }
0x19: {  	s7 =	sld [smem:$0x3F9B]  }
0x1a: {  	s8 =	sadd.s32 $0xFFFFE003, lr  }
0x1b: {  	s9 =	sadd.s32 $0xFFFFFEF7, lr;
	s5 =	simm.s32 $0xFFFFFFFF;
	p2 =	slt.u32 s8, $0xFFFFF086  }
0x1c: {  	p1 =	slt.u32 s9, $0xF7A;
	s5 =	simm.s32 @!p2 $0x0  }
0x1d: {  	s5 =	simm.s32 @p1 $0x1;
	p0 =	seq.s32 s7, s2  }
0x1e: {  	s7 =	smul.u32 @!p0 $0xF7A, s2;
	p2 =	seq.s32 @!p0 s5, $0x0  }
0x1f: {  	s9 =	smul.u32 $0xF7A, s1;
	s8 =	simm.s32 @!p0 $0x1BF5;
	p2 =	por !p2, p0  }
0x20: {  	[sflag:s8] =	ssyncset.s32 @!p0 $0xFFFFF086;
	s6 =	sadd.s32 @!p0 s3, s7;
	s7 =	simm.s32 @!p0 $0x108  }
0x21: {  	s3 =	sadd.s32 s3, s9;
	s6 =	sadd.s32 @!p0 $0x88, s6;
	s7 =	simm.s32 @p2 $0x1082  }
0x22: {  	[simem:s7], [sflag:s8] =	dma.local @!p0 [hbm:s6], $0xF7A  }
0x23: {  	s9 =	sor.u32 $0xD0000000, s2;
	s6 =	simm.s32 $0x108;
	_ =	swait.ge @!p0 [sflag:s8], $0x0  }
0x24: {  	s3 =	sadd.s32 $0x88, s3;
	s6 =	simm.s32 @!p1 $0x1082;
	[sflag:s4] =	ssyncset.s32 $0xFFFFF086  }
0x25: {  	[simem:s6], [sflag:s4] =	dma.local [hbm:s3], $0xF7A  }
0x26: {  	[smem:$0x3F9B] =	sst s1;
	(tag) =	ssettag s2;
	_ =	strace s9  }
0x27: {  	s1 =	sld [smem:$0x3FAB]  }
0x28: {  	s2 =	sld [smem:$0x3FAC]  }
0x29: {  	s4 =	sld [smem:$0x3FAE]  }
0x2a: {  	p0 =	seq.s32 s5, $0x0;
	s5 =	sld [smem:$0x3FAF]  }
0x2b: {  	s6 =	sld [smem:$0x3FB0]  }
0x2c: {  	s7 =	sld [smem:$0x3FB1]  }
0x2d: {  	s3 =	simm.s32 $0x108;
	s8 =	sld [smem:$0x3FB2]  }
0x2e: {  	s3 =	simm.s32 @!p0 $0x1082;
	s9 =	sld [smem:$0x3FB3]  }
0x2f: {  	lr =	sadd.s32 s0, s3;
	s0 =	sld [smem:$0x3FAA]  }
0x30: {  	s3 =	sld [smem:$0x3FAD]  }
0x31: {  	[smem:$0x3FB6] =	sst s10  }
0x32: {  	s10 =	sld [smem:$0x3FB4];
	_ =	sdelay $0x3  }
0x33: {  	p0 =	seq.s32 s10, $0x1;
	s10 =	sld [smem:$0x3FB6];
	_ =	sdelay $0x3  }
0x34: {  	[smem:$0x3FB6] =	sst s10  }
0x35: {  	s10 =	sld [smem:$0x3FB5];
	_ =	sdelay $0x3  }
0x36: {  	p1 =	seq.s32 s10, $0x1;
	s10 =	sld [smem:$0x3FB6];
	_ =	sdelay $0x3  }
0x37: {  	[smem:$0x3FB6] =	sst s10  }
0x38: {  	s10 =	sld [smem:$0x3FB7]  }
0x39: {  	_ = 	snop;
	(pc) =	sbr.ind lr, $3  }
0x3a: {  	_ = 	snop  }
0x3b: {  	_ = 	snop  }
0x3c: {  	p2 =	seq.s32 s10, $0x1;
	s10 =	sld [smem:$0x3FB6]  }
0x3d: {  	_ =	shalt  }
0x3e: {  	_ =	shalt  }
0x3f: {  	_ =	shalt  }
0x40: {  	_ =	shalt  }
0x41: {  	_ =	shalt  }
0x42: {  	_ =	shalt  }
0x43: {  	_ =	shalt  }
0x44: {  	_ =	shalt  }
0x45: {  	_ =	shalt  }
0x46: {  	_ =	shalt  }
0x47: {  	_ =	shalt  }
0x48: {  	_ =	shalt  }
0x49: {  	_ =	shalt  }
0x4a: {  	_ =	shalt  }
0x4b: {  	_ =	shalt  }
0x4c: {  	_ =	shalt  }
0x4d: {  	_ =	shalt  }
0x4e: {  	_ =	shalt  }
0x4f: {  	_ =	shalt  }
0x50: {  	_ =	shalt  }
0x51: {  	_ =	shalt  }
0x52: {  	_ =	shalt  }
0x53: {  	_ =	shalt  }
0x54: {  	_ =	shalt  }
0x55: {  	_ =	shalt  }
0x56: {  	_ =	shalt  }
0x57: {  	_ =	shalt  }
0x58: {  	_ =	shalt  }
0x59: {  	_ =	shalt  }
0x5a: {  	_ =	shalt  }
0x5b: {  	_ =	shalt  }
0x5c: {  	_ =	shalt  }
0x5d: {  	_ =	shalt  }
0x5e: {  	_ =	shalt  }
0x5f: {  	_ =	shalt  }
0x60: {  	_ =	shalt  }
0x61: {  	_ =	shalt  }
0x62: {  	_ =	shalt  }
0x63: {  	_ =	shalt  }
0x64: {  	_ =	shalt  }
0x65: {  	_ =	shalt  }
0x66: {  	_ =	shalt  }
0x67: {  	_ =	shalt  }
0x68: {  	_ =	shalt  }
0x69: {  	_ =	shalt  }
0x6a: {  	_ =	shalt  }
0x6b: {  	_ =	shalt  }
0x6c: {  	_ =	shalt  }
0x6d: {  	_ =	shalt  }
0x6e: {  	_ =	shalt  }
0x6f: {  	_ =	shalt  }
0x70: {  	_ =	shalt  }
0x71: {  	_ =	shalt  }
0x72: {  	_ =	shalt  }
0x73: {  	_ =	shalt  }
0x74: {  	_ =	shalt  }
0x75: {  	_ =	shalt  }
0x76: {  	_ =	shalt  }
0x77: {  	_ =	shalt  }
0x78: {  	_ =	shalt  }
0x79: {  	_ =	shalt  }
0x7a: {  	_ =	shalt  }
0x7b: {  	_ =	shalt  }
0x7c: {  	_ =	shalt  }
0x7d: {  	_ =	shalt  }
0x7e: {  	_ =	shalt  }
0x7f: {  	_ =	shalt  }
0x80: {  	_ =	shalt  }
0x81: {  	_ =	shalt  }
0x82: {  	_ =	shalt  }
0x83: {  	_ =	shalt  }
0x84: {  	_ =	shalt  }
0x85: {  	_ =	shalt  }
0x86: {  	_ =	shalt  }
0x87: {  	_ =	shalt  }
.Lfunc_end0:
.L_simem_size_0:
called_computation_lowered:
.L_overlay_start_0:
0x88: {  	s2 =	sld [smem:$0x3FD9]  }
0x89: {  	s3 =	sld [smem:$0x3FFE];
	_ =	sdelay $0x1  }
0x8a: {  	s1 =	srdreg.scid  }
0x8b: {  	s0 =	sand.u32 $0x1, s1  }
0x8c: {  	s16 =	sshll.u32 s0, $0xA;
	s2 =	sadd.s32 s3, s2  }
0x8d: {  	s2 =	sadd.s32 s2, s16  }
0x8e: {  	[smem:$0x3FC2] =	sst s2  }
0x8f: {  	_ = 	snop  }
0x90: {  	(tm) =	ssettm $0x1  }
0x91: {  	s17 =	sld [smem:$0x3FFB];
	_ =	sdelay $0x3  }
0x92: {  	_ =	strace s17  }
0x93: {  	s2 =	sld [smem:$0x3FFC];
	_ =	sdelay $0x3  }
0x94: {  	_ =	strace s2  }
0x95: {  	s2 =	sld [smem:$0x3FFD];
	_ =	sdelay $0x3  }
0x96: {  	_ =	strace s2  }
0x97: {  	_ =	strace $0x8FFFFFFF  }
0x98: {  	s18 =	sld [smem:$0x3FDB];
	_ =	sdelay $0x1  }
0x99: {  	s19 =	simm.s32 $_scs_section_size  }
0x9a: {  	s4 =	simm.s32 $_size__tile_overlayer_lowered;
	s5 =	simm.s32 $_tile_overlayer_lowered  }
0x9b: {  	s22 =	simm.s32 $0x1BFF;
	s21 =	sshll.u32 s5, $0x1;
	s2 =	sadd.s32 s19, s18  }
0x9c: {  	s6 =	simm.s32 $0x0;
	s20 =	sshll.u32 s4, $0x1;
	s4 =	sadd.s32 s21, s2  }
0x9d: {  	[timem:s6], [sflag:s22] =	dma.local [hbm:s4], s20  }
0x9e: {  	_ =	swait.ge [sflag:s22], s20  }
0x9f: {  	s3 =	ssub.s32 $0x0, s20;
	[sflag:s22] =	ssyncset.done $0x0  }
0xa0: {  	[sflag:s22] =	ssyncadd.s32 s3;
	_ =	sdelay $0x1  }
0xa1: {  	s23 =	simm.s32 $0x1B8B  }
0xa2: {  	_ =	swait.ge [sflag:s23], $0x1  }
0xa3: {  	[sflag:s23] =	ssyncset.done $0x0  }
0xa4: {  	s25 =	simm.s32 $0x1B8E;
	s24 =	sld [smem:$0x3FFE];
	[sflag:s23] =	ssyncadd.s32 $0xFFFFFFFF  }
0xa5: {  	s26 =	simm.s32 $execute0_lowered;
	[smem:$0x3FD2] =	sst s25  }
0xa6: {  	s4 =	sshll.u32 s26, $0x1;
	_ =	strace $0x80000046;
	[dreg:$0x1] =	wrdreg $0xFFFFFFFF  }
0xa7: {  	s28 =	simm.s32 $_size_execute0_lowered;
	s2 =	sadd.s32 s2, s4;
	[dreg:$0x0] =	wrdreg $0x0  }
0xa8: {  	s4 =	sshll.u32 s28, $0x1;
	[dreg:$0x2] =	wrdreg s2  }
0xa9: {  	[dreg:$0x3] =	wrdreg s4  }
0xaa: {  	[dreg:$0x4] =	wrdreg $0xC0  }
0xab: {  	_ =	task [dreg:s6], $0x5FFFF  }
0xac: {  	[dreg:$0x1] =	wrdreg $0xFFFFFFFF  }
0xad: {  	[dreg:$0x0] =	wrdreg $0x60  }
0xae: {  	[dreg:$0x2] =	wrdreg s24  }
0xaf: {  	[dreg:$0x3] =	wrdreg $0x68000  }
0xb0: {  	[dreg:$0x4] =	wrdreg $0x9  }
0xb1: {  	_ =	task.clear_ibuf [dreg:s6], $0x5FFFF;
	_ =	strace $0x90000046  }
0xb2: {  	s29 =	simm.s32 $0x9;
	_ =	strace $0x80000048  }
0xb3: {  	_ =	swait.ge [sflag:s29], $0x1  }
0xb4: {  	[sflag:s29] =	ssyncadd.s32 $0xFFFFFFFF  }
0xb5: {  	_ =	strace $0x90000048  }
0xb6: {  	_ =	sfence  }
0xb7: {  	s30 =	sld [smem:$0x0];
	_ =	sdelay $0x2  }
0xb8: {  	s31 =	sshll.u32 s1, $0xD;
	s1 =	sshrl.u32 s1, $0x2  }
0xb9: {  	s3 =	sand.u32 $0x4000, s31;
	s1 =	sadd.s32 s1, s30  }
0xba: {  	s0 =	sor.u32 s3, s0;
	s1 =	sshll.u32 s1, $0x11  }
0xbb: {  	s0 =	sor.u32 s1, s0  }
0xbc: {  	s0 =	sadd.s32 $0x8F2B, s0  }
0xbd: {  	[sflag:s0] =	ssyncadd.remote.s32 $0x1  }
0xbe: {  	_ =	sfence.sel $0xFFFF  }
0xbf: {  	[dreg:$0x0] =	wrdreg $0xFFFFFFFF;
	(pc) =	sbr.abs _section_cstart, $3  }
0xc0: {  	[dreg:$0x1] =	wrdreg $0xFFFFFFFF  }
0xc1: {  	_ =	task.clear_ibuf [dreg:s6], $0x2FFFF;
	_ =	strace $0x9FFFFFFF  }
0xc2: {  	(tm) =	ssettm $0x7FFFFFFF  }
0xc3: {  	_ =	shalt  }
tec
execute0_lowered:
.L_overlay_start_1:
0x0: {  	(tag) =	ssettag $0x1  }
0x1: {  	s0 =	srdreg.scid;
	s4 =	rddreg [dreg:$0x0]  }
0x2: {  	s2 =	rddreg [dreg:$0x1];
	s5 =	sand.u32 $0x1, s0  }
0x3: {  	s0 =	stileid.u32;
	s6 =	smul.u32 $0x5000, s5  }
0x4: {  	s1 =	rddreg [dreg:$0x2];
	s3 =	simm.s32 $0x0;
	s7 =	smul.u32 $0x500, s0  }
0x5: {  	s12 =	simm.s32 $0x2800;
	s13 =	simm.s32 $0x1;
	s8 =	smul.u32 $0x28000, s5  }
0x6: {  	s14 =	simm.s32 $0x80;
	[smem:$0x7FF] =	sst s3;
	s9 =	smul.u32 $0x2800, s0  }
0x7: {  	s29 =	smul.u32 $0x50000, s0;
	s5 =	ssub.s32 $0x2, s5;
	s15 =	sshll.u32 s0, $0x6  }
0x8: {  	_ =	strace $0x80000047;
	s30 =	sshrl.u32 s5, $0x1;
	s15 =	sor.u32 $0x1C01, s15  }
0x9: {  	s6 =	sadd.s32 s7, s6;
	s8 =	sadd.s32 s9, s8;
	s7 =	sshrl.u32 s29, $0x2  }
0xa: {  	s31 =	ssub.s32 s5, s30;
	s6 =	sadd.s32 s6, s4;
	s8 =	sadd.s32 s8, s4  }
0xb: {  	s4 =	sadd.s32 s7, s2;
	s7 =	smax.u32 s31, $0x1;
	s5 =	sadd.s32 $0x2400, s6  }
0xc: {  	s6 =	sadd.s32 $0xC400, s8;
	s8 =	sadd.s32 $0x4000, s4;
	s9 =	sadd.s32 $0x8000, s4  }
0xd: {  	v0 =	vimm.f32 $0.0e+00;
	v1 =	vimm.f32 $1.000000000e+00;
	s10 =	sadd.s32 $0xC000, s4;
	s11 =	sadd.s32 $0x10000, s4;
	s16 =	sshrl.u32 s4, $0x3  }
.LBB2_1:
0xe: {  	s17 =	simm.s32 $0x0;
	s18 =	simm.s32 $0x200  }
.LBB2_2:
0xf: {  	p0 =	sne.s32 s18, $0xFE00;
	[tilespmem:s17+$0x2870] =	vst v0  }
0x10: {  	[tilespmem:s17+$0x2800] =	vst v0  }
0x11: {  	[tilespmem:s17+$0x2810] =	vst v0  }
.Ltmp0:
0x12: {  	[tilespmem:s17+$0x2820] =	vst v0;
	(pc) =	sbr.rel @p0 .LBB2_2-.Ltmp0, $4  }
0x13: {  	[tilespmem:s17+$0x2830] =	vst v0  }
0x14: {  	[tilespmem:s17+$0x2840] =	vst v0  }
0x15: {  	[tilespmem:s17+$0x2850] =	vst v0  }
0x16: {  	[tilespmem:s17+$0x2860] =	vst v0;
	s17 =	sshra.s32 s18, $0x2;
	s18 =	sadd.s32 $0x200, s18  }
0x17: {  	[tilespmem:s17+$0x2870] =	vst v0  }
0x18: {  	[tilespmem:s17+$0x2800] =	vst v0  }
0x19: {  	[tilespmem:s17+$0x2810] =	vst v0  }
0x1a: {  	[tilespmem:s17+$0x2820] =	vst v0  }
0x1b: {  	[tilespmem:s17+$0x2830] =	vst v0  }
0x1c: {  	[tilespmem:s17+$0x2840] =	vst v0  }
0x1d: {  	[tilespmem:s17+$0x2850] =	vst v0  }
0x1e: {  	[tilespmem:s17+$0x2860] =	vst v0  }
0x1f: {  	[spmem:s4] =	stream.linear.scatter [tilespmem:s12], [sflag:$0x1], $0x4000, $0x38;
	[tilespmem:$0x1A800] =	vst v63  }
0x20: {  	_ =	swait.ge [sflag:s13], $0x4000  }
0x21: {  	[sflag:s13] =	ssyncset.done $0x0  }
0x22: {  	[sflag:s13] =	ssyncadd.s32 $0xFFFFC000  }
0x23: {  	[spmem:s8] =	stream.linear.scatter [tilespmem:s12], [sflag:$0x1], $0x4000, $0x38;
	[tilespmem:$0x1A800] =	vst v63  }
0x24: {  	_ =	swait.ge [sflag:s13], $0x4000  }
0x25: {  	[sflag:s13] =	ssyncset.done $0x0  }
0x26: {  	[sflag:s13] =	ssyncadd.s32 $0xFFFFC000  }
0x27: {  	[spmem:s9] =	stream.linear.scatter [tilespmem:s12], [sflag:$0x1], $0x4000, $0x38;
	[tilespmem:$0x1A800] =	vst v63  }
0x28: {  	_ =	swait.ge [sflag:s13], $0x4000  }
0x29: {  	[sflag:s13] =	ssyncset.done $0x0  }
0x2a: {  	[sflag:s13] =	ssyncadd.s32 $0xFFFFC000  }
0x2b: {  	[spmem:s10] =	stream.linear.scatter [tilespmem:s12], [sflag:$0x1], $0x4000, $0x38;
	[tilespmem:$0x1A800] =	vst v63  }
0x2c: {  	_ =	swait.ge [sflag:s13], $0x4000  }
0x2d: {  	[sflag:s13] =	ssyncset.done $0x0  }
0x2e: {  	[sflag:s13] =	ssyncadd.s32 $0xFFFFC000  }
0x2f: {  	[spmem:s11] =	stream.linear.scatter [tilespmem:s12], [sflag:$0x1], $0x4000, $0x38;
	[tilespmem:$0x1A800] =	vst v63  }
0x30: {  	_ =	swait.ge [sflag:s13], $0x4000  }
0x31: {  	[sflag:s13] =	ssyncset.done $0x0  }
0x32: {  	s17 =	simm.s32 $0x0;
	s18 =	simm.s32 $0x200;
	[sflag:s13] =	ssyncadd.s32 $0xFFFFC000  }
.LBB2_4:
0x33: {  	p0 =	sne.s32 s18, $0xFE00;
	[tilespmem:s17+$0x2870] =	vst v1  }
0x34: {  	[tilespmem:s17+$0x2800] =	vst v1  }
0x35: {  	[tilespmem:s17+$0x2810] =	vst v1  }
.Ltmp1:
0x36: {  	[tilespmem:s17+$0x2820] =	vst v1;
	(pc) =	sbr.rel @p0 .LBB2_4-.Ltmp1, $4  }
0x37: {  	[tilespmem:s17+$0x2830] =	vst v1  }
0x38: {  	[tilespmem:s17+$0x2840] =	vst v1  }
0x39: {  	[tilespmem:s17+$0x2850] =	vst v1  }
0x3a: {  	[tilespmem:s17+$0x2860] =	vst v1;
	s17 =	sshra.s32 s18, $0x2;
	s18 =	sadd.s32 $0x200, s18  }
0x3b: {  	[tilespmem:s17+$0x2870] =	vst v1  }
0x3c: {  	[tilespmem:s17+$0x2800] =	vst v1  }
0x3d: {  	[tilespmem:s17+$0x2810] =	vst v1  }
0x3e: {  	[tilespmem:s17+$0x2820] =	vst v1  }
0x3f: {  	[tilespmem:s17+$0x2830] =	vst v1  }
0x40: {  	[tilespmem:s17+$0x2840] =	vst v1  }
0x41: {  	[tilespmem:s17+$0x2850] =	vst v1  }
0x42: {  	[tilespmem:s17+$0x2860] =	vst v1;
	s30 =	simm.s32 $0x0  }
0x43: {  	[tilespmem:s30], [sflag:$0x1] =	stream.linear.gather [hbm4b:s5+s30], $0x2800, $0x38;
	[tilespmem:$0x1A800] =	vst v63  }
0x44: {  	_ =	swait.ge [sflag:s13], $0x2800  }
0x45: {  	[sflag:s13] =	ssyncset.done $0x0  }
0x46: {  	[sflag:s13] =	ssyncadd.s32 $0xFFFFD800  }
0x47: {  	s31 =	simm.s32 $0x0;
	[bflag:$0x0] =	sbarrier.arrive $0xFFFF  }
0x48: {  	[spmem:s2] =	stream.indirect.scatter.add.f32 [tilespmem:s12], [sflag:$0x1], $0x80, s31, s14, $0xb8;
	[tilespmem:$0x1A800] =	vst v63  }
0x49: {  	_ =	swait.ge [sflag:s13], $0x4000  }
0x4a: {  	s17 =	simm.s32 $0x200;
	[sflag:s13] =	ssyncset.done $0x0  }
.LBB2_6:
0x4b: {  	s18 =	sshra.s32 s17, $0x2;
	[sflag:s13] =	ssyncadd.s32 $0xFFFFC000;
	p0 =	sne.s32 s17, $0x9E00  }
0x4c: {  	[spmem:s2] =	stream.indirect.scatter.add.f32 [tilespmem:s12], [sflag:$0x1], $0x80, s18, s14, $0xb8;
	[tilespmem:$0x1A800] =	vst v63  }
.Ltmp2:
0x4d: {  	_ = 	snop;
	(pc) =	sbr.rel @p0 .LBB2_6-.Ltmp2, $4  }
0x4e: {  	_ = 	snop  }
0x4f: {  	s17 =	sadd.s32 $0x200, s17  }
0x50: {  	_ =	swait.ge [sflag:s13], $0x4000  }
0x51: {  	[sflag:s13] =	ssyncset.done $0x0  }
0x52: {  	s3 =	sadd.s32 $0x1, s3  }
0x53: {  	[sflag:s13] =	ssyncadd.s32 $0xFFFFC000;
	p0 =	sne.s32 s3, s7  }
.Ltmp3:
0x54: {  	[bflag:$0x0] =	sbarrier.arrive $0xFFFF;
	(pc) =	sbr.rel @p0 .LBB2_1-.Ltmp3, $4  }
0x55: {  	[hbm:s6], [sflag:s15] =	dma.local [spmem:s16], $0x2800  }
0x56: {  	_ =	swait.ge [sflag:s13], $0x2800  }
0x57: {  	[sflag:s13] =	ssyncset.done $0x0  }
0x58: {  	[sflag:s13] =	ssyncadd.s32 $0xFFFFD800  }
0x59: {  	_ =	sfence.sel $0x180000  }
0x5a: {  	[bflag:$0x0] =	sbarrier.arrive $0xFFFF  }
0x5b: {  	p0 =	sne.s32 s0, $0x0;
	_ =	strace $0x90000047  }
0x5c: {  	s0 =	sadd.s32 @!p0 $0x100000, s1;
	[bflag:$0x2] =	sbarrier.arrive $0xFFFF  }
0x5d: {  	[sflag:s0] =	ssyncadd.tile.s32 @!p0 $0x1;
	_ =	shalt  }
.Lfunc_end2:
_tile_overlayer_lowered:
.L_overlay_start_2:
0x5e: {  	(tag) =	ssettag $0x2  }
0x5f: {  	s0 =	rddreg [dreg:$0x0];
	s2 =	stileid.u32  }
0x60: {  	s1 =	rddreg [dreg:$0x1];
	p0 =	sne.s32 s2, $0x0  }
0x61: {  	s3 =	rddreg [dreg:$0x2];
	[bflag:$0x3] =	sbarrier.arrive $0xFFFF;
	s2 =	simm.s32 @!p0 $0x1C01  }
0x62: {  	[timem:s3], [sflag:s2] =	dma.local @!p0 [hbm:s0], s1  }
0x63: {  	s0 =	simm.s32 @!p0 $0x1  }
0x64: {  	_ =	swait.ge @!p0 [sflag:s0], s1  }
0x65: {  	s1 =	ssub.s32 @!p0 $0x0, s1;
	[sflag:s0] =	ssyncset.done @!p0 $0x0  }
0x66: {  	[sflag:s0] =	ssyncadd.s32 @!p0 s1  }
0x67: {  	[bflag:$0x3] =	sbarrier.arrive $0xFFFF  }
0x68: {  	_ =	shalt  }

</sc_bundles>
